<compile_context>
chip_gen: v7x
topology: tpu7x:2x2x1
jax: 0.10.2.dev20260603
libtpu: 0.0.44.dev20260713+nightly
codegen_flags: <defaults>
</compile_context>

<pallas_src>
import functools

import jax
import jax.numpy as jnp
from jax import lax
from jax.experimental import pallas as pl
from jax.experimental.pallas import tpu as pltpu
from jax.experimental.pallas import tpu_sc as plsc

B = 16384
D_MLP = 64
D_MF = 32
D_PACK = 128
NC = 2
NS = 16
NW = NC * NS
B_PER_W = B // NW
CHUNK = 128
N_CHUNKS = B_PER_W // CHUNK
PACK_BLK = 32768


def _pack_body(mlpT_ref, mfT_ref, e64_ref, e32_ref, out_ref):
    dn_t = (((0,), (0,)), ((), ()))
    m = lax.dot_general(mlpT_ref[...].astype(jnp.bfloat16),
                        e64_ref[...].astype(jnp.bfloat16), dn_t,
                        preferred_element_type=jnp.float32)
    f = lax.dot_general(mfT_ref[...].astype(jnp.bfloat16),
                        e32_ref[...].astype(jnp.bfloat16), dn_t,
                        preferred_element_type=jnp.float32)
    m2 = pltpu.bitcast(m.astype(jnp.bfloat16), jnp.float32)
    f2 = pltpu.bitcast(f.astype(jnp.bfloat16), jnp.float32)
    out_ref[:, 0:D_MLP] = m2
    out_ref[:, D_MLP:D_MLP + D_MF] = f2
    out_ref[:, D_MLP + D_MF:D_PACK] = jnp.zeros(
        (PACK_BLK // 2, D_PACK - D_MLP - D_MF), jnp.float32)


def _pack_side(mlpT, mfT, e64, e32):
    v = mlpT.shape[1]
    n_blk = (v + PACK_BLK - 1) // PACK_BLK
    return pl.pallas_call(
        _pack_body,
        grid=(n_blk,),
        in_specs=[
            pl.BlockSpec((D_MLP, PACK_BLK), lambda i: (0, i)),
            pl.BlockSpec((D_MF, PACK_BLK), lambda i: (0, i)),
            pl.BlockSpec((D_MLP, D_MLP), lambda i: (0, 0)),
            pl.BlockSpec((D_MF, D_MF), lambda i: (0, 0)),
        ],
        out_specs=pl.BlockSpec((PACK_BLK // 2, D_PACK), lambda i: (i, 0)),
        out_shape=jax.ShapeDtypeStruct((n_blk * PACK_BLK // 2, D_PACK),
                                       jnp.float32),
        compiler_params=pltpu.CompilerParams(
            dimension_semantics=("arbitrary",),
            fuse_transposed_lhs_in_matmul=True,
            vmem_limit_bytes=120 * 1024 * 1024,
        ),
    )(mlpT, mfT, e64, e32)


def _sc_gather(idx, packed):
    mesh = plsc.VectorSubcoreMesh(core_axis_name="c", subcore_axis_name="s")

    @functools.partial(
        pl.kernel,
        mesh=mesh,
        out_type=jax.ShapeDtypeStruct((B, D_PACK), jnp.float32),
        scratch_types=[
            pltpu.VMEM((N_CHUNKS, CHUNK), jnp.int32),
            pltpu.VMEM((CHUNK, D_PACK), jnp.float32),
            pltpu.VMEM((CHUNK, D_PACK), jnp.float32),
            pltpu.SemaphoreType.DMA,
        ],
        compiler_params=pltpu.CompilerParams(use_tc_tiling_on_sc=False),
    )
    def k(idx_hbm, p_hbm, out, idx_v, b0, b1, sem):
        wid = lax.axis_index("s") * NC + lax.axis_index("c")
        idx_row0 = wid * N_CHUNKS
        base = wid * B_PER_W
        pltpu.sync_copy(idx_hbm.at[pl.ds(idx_row0, N_CHUNKS)], idx_v)
        bufs = [b0, b1]

        def fire(c):
            return pltpu.async_copy(p_hbm.at[idx_v.at[c]], bufs[c % 2], sem)

        pending = fire(0)
        for c in range(N_CHUNKS):
            nxt = fire(c + 1) if c + 1 < N_CHUNKS else None
            pending.wait()
            dst = pl.ds(base + c * CHUNK, CHUNK)
            pltpu.sync_copy(bufs[c % 2], out.at[dst])
            pending = nxt

    return k(idx, packed)


BLK = 2048


def _unpack_half(g, par):
    def sel(words):
        ui = pltpu.bitcast(words, jnp.uint32)
        lo = pltpu.bitcast(ui << jnp.uint32(16), jnp.float32)
        hi = pltpu.bitcast(ui & jnp.uint32(0xFFFF0000), jnp.float32)
        return jnp.where(par, hi, lo)

    return sel(g[:, 0:D_MLP]), sel(g[:, D_MLP:D_MLP + D_MF])


def _tc_body(gu_ref, gi_ref, uidx_ref, iidx_ref,
             w0_ref, b0_ref, w1_ref, b1_ref, w2_ref, b2_ref,
             wa_mlp_ref, wa_mf_ref, ba_ref, out_ref):
    u_mlp, u_mf = _unpack_half(gu_ref[...], (uidx_ref[...] & 1) == 1)
    i_mlp, i_mf = _unpack_half(gi_ref[...], (iidx_ref[...] & 1) == 1)
    h = jnp.dot(u_mlp, w0_ref[0:D_MLP, :], preferred_element_type=jnp.float32)
    h = h + jnp.dot(i_mlp, w0_ref[D_MLP:2 * D_MLP, :],
                    preferred_element_type=jnp.float32)
    h = jnp.maximum(h + b0_ref[...], 0.0)
    h = jnp.maximum(jnp.dot(h, w1_ref[...], preferred_element_type=jnp.float32)
                    + b1_ref[...], 0.0)
    h = jnp.maximum(jnp.dot(h, w2_ref[...], preferred_element_type=jnp.float32)
                    + b2_ref[...], 0.0)
    mf = u_mf * i_mf
    logits = (jnp.sum(h * wa_mlp_ref[...], axis=1)
              + jnp.sum(mf * wa_mf_ref[...], axis=1)
              + ba_ref[0, 0])
    out_ref[...] = logits[:, None]


def _tc_mlp(g_user, g_item, uidx_c, iidx_c, W0, b0, W1, b1, W2, b2, Wa, ba):
    n_blk = B // BLK
    wa_mlp = Wa[:16, 0].reshape(1, 16)
    wa_mf = Wa[16:, 0].reshape(1, D_MF)
    data_spec = pl.BlockSpec((BLK, D_PACK), lambda i: (i, 0))
    idx_spec = pl.BlockSpec((BLK, 1), lambda i: (i, 0))
    full = lambda shape: pl.BlockSpec(shape, lambda i: (0, 0))
    out = pl.pallas_call(
        _tc_body,
        grid=(n_blk,),
        in_specs=[
            data_spec, data_spec, idx_spec, idx_spec,
            full((128, 64)), full((1, 64)),
            full((64, 32)), full((1, 32)),
            full((32, 16)), full((1, 16)),
            full((1, 16)), full((1, D_MF)), full((1, 1)),
        ],
        out_specs=pl.BlockSpec((BLK, 1), lambda i: (i, 0)),
        out_shape=jax.ShapeDtypeStruct((B, 1), jnp.float32),
        compiler_params=pltpu.CompilerParams(
            dimension_semantics=("arbitrary",),
        ),
    )(g_user, g_item, uidx_c, iidx_c,
      W0, b0.reshape(1, 64), W1, b1.reshape(1, 32), W2, b2.reshape(1, 16),
      wa_mlp, wa_mf, ba.reshape(1, 1))
    return out.reshape(B)


def kernel(user_indices, item_indices, user_mf_table, item_mf_table,
           user_mlp_table, item_mlp_table, W0, b0, W1, b1, W2, b2, Wa, ba):
    uidx = user_indices.astype(jnp.int32)
    iidx = item_indices.astype(jnp.int32)
    upair = (uidx >> 1).reshape(B // CHUNK, CHUNK)
    ipair = (iidx >> 1).reshape(B // CHUNK, CHUNK)
    e64 = jnp.eye(D_MLP, dtype=jnp.float32)
    e32 = jnp.eye(D_MF, dtype=jnp.float32)
    ipacked = _pack_side(item_mlp_table.T, item_mf_table.T, e64, e32)
    g_item = _sc_gather(ipair, ipacked)
    upacked = _pack_side(user_mlp_table.T, user_mf_table.T, e64, e32)
    g_user = _sc_gather(upair, upacked)
    return _tc_mlp(g_user, g_item, uidx.reshape(B, 1), iidx.reshape(B, 1),
                   W0, b0, W1, b1, W2, b2, Wa, ba)

# --- scband reference (transcript-rebuilt; emitter-appended) ---
"""Pipeline reference for scband-neu-mf-10453950398651 (READ-ONLY COPY).

The authoritative reference and input builder live on the scoring server;
editing this copy changes nothing except your own understanding.
"""

import jax, jax.numpy as jnp
import numpy as np

NUM_USERS = 1000000
NUM_ITEMS = 100000
MF_DIM = 32
LAYERS = [128, 64, 32, 16]
BATCH = 16384


def setup_inputs(seed: int = 0) -> dict:
    key = jax.random.key(seed)
    ks = jax.random.split(key, 16)
    inp = {}
    inp["user_indices"] = jax.random.randint(ks[0], (BATCH,), 0, NUM_USERS)
    inp["item_indices"] = jax.random.randint(ks[1], (BATCH,), 0, NUM_ITEMS)
    inp["user_mf_table"] = jax.random.normal(ks[2], (NUM_USERS + 1, MF_DIM), dtype=jnp.float32) * 0.05
    inp["item_mf_table"] = jax.random.normal(ks[3], (NUM_ITEMS + 1, MF_DIM), dtype=jnp.float32) * 0.05
    inp["user_mlp_table"] = jax.random.normal(ks[4], (NUM_USERS + 1, LAYERS[0] // 2), dtype=jnp.float32) * 0.05
    inp["item_mlp_table"] = jax.random.normal(ks[5], (NUM_ITEMS + 1, LAYERS[0] // 2), dtype=jnp.float32) * 0.05
    # MLP layer weights: 128->64, 64->32, 32->16
    inp["W0"] = jax.random.normal(ks[6], (LAYERS[0], LAYERS[1]), dtype=jnp.float32) * (1.0 / np.sqrt(LAYERS[0]))
    inp["b0"] = jnp.zeros((LAYERS[1],), dtype=jnp.float32)
    inp["W1"] = jax.random.normal(ks[7], (LAYERS[1], LAYERS[2]), dtype=jnp.float32) * (1.0 / np.sqrt(LAYERS[1]))
    inp["b1"] = jnp.zeros((LAYERS[2],), dtype=jnp.float32)
    inp["W2"] = jax.random.normal(ks[8], (LAYERS[2], LAYERS[3]), dtype=jnp.float32) * (1.0 / np.sqrt(LAYERS[2]))
    inp["b2"] = jnp.zeros((LAYERS[3],), dtype=jnp.float32)
    inp["Wa"] = jax.random.normal(ks[9], (LAYERS[3] + MF_DIM, 1), dtype=jnp.float32) * (1.0 / np.sqrt(LAYERS[3] + MF_DIM))
    inp["ba"] = jnp.zeros((1,), dtype=jnp.float32)
    return inp


def reference(user_indices, item_indices, user_mf_table, item_mf_table,
              user_mlp_table, item_mlp_table, W0, b0, W1, b1, W2, b2, Wa, ba):
    # MF branch: elementwise product of user/item embeddings
    user_embedding_mf = jnp.take(user_mf_table, user_indices, axis=0)
    item_embedding_mf = jnp.take(item_mf_table, item_indices, axis=0)
    mf_vector = user_embedding_mf * item_embedding_mf
    # MLP branch: concat embeddings, pass through ReLU MLP
    user_embedding_mlp = jnp.take(user_mlp_table, user_indices, axis=0)
    item_embedding_mlp = jnp.take(item_mlp_table, item_indices, axis=0)
    mlp_vector = jnp.concatenate([user_embedding_mlp, item_embedding_mlp], axis=-1)
    mlp_vector = jax.nn.relu(mlp_vector @ W0 + b0)
    mlp_vector = jax.nn.relu(mlp_vector @ W1 + b1)
    mlp_vector = jax.nn.relu(mlp_vector @ W2 + b2)
    vector = jnp.concatenate([mlp_vector, mf_vector], axis=-1)
    logits = vector @ Wa + ba
    return jnp.squeeze(logits, axis=-1)

if __name__ == "__main__":
    import jax
    _d = setup_inputs()
    print(jax.jit(kernel)(*tuple(_d.values())))

</pallas_src>

<mosaic_0001>
#map = affine_map<(d0, d1) -> (0, 0)>
module attributes {stable_mosaic.version = 14 : i64} {
  func.func @k(%arg0: i32, %arg1: i32, %arg2: memref<128x128xi32, #tpu.memory_space<hbm>>, %arg3: memref<507904x128xf32, #tpu.memory_space<hbm>>, %arg4: memref<16384x128xf32, #tpu.memory_space<hbm>>, %arg5: memref<4x128xi32, #tpu.memory_space<vmem>>, %arg6: memref<128x128xf32, #tpu.memory_space<vmem>>, %arg7: memref<128x128xf32, #tpu.memory_space<vmem>>, %arg8: memref<!tpu.dma_semaphore, #tpu.memory_space<semaphore_mem>>) attributes {dimension_semantics = [#tpu.dimension_semantics<core_parallel>, #tpu.dimension_semantics<subcore_parallel>], iteration_bounds = array<i64: 2, 16>, scalar_prefetch = 0 : i64, scratch_operands = 4 : i64, tpu.core_type = #tpu.core_type<sc_vector_subcore>, window_params = [{transform_indices = #map}, {transform_indices = #map}, {transform_indices = #map}]} {
    %mul3A = arith.constant 2 : i32
    %mul3A_0 = arith.muli %arg1, %mul3A : i32
    %add3A = arith.addi %mul3A_0, %arg0 : i32
    %mul3A_1 = arith.constant 4 : i32
    %mul3A_2 = arith.muli %add3A, %mul3A_1 : i32
    %mul3A_3 = arith.constant 512 : i32
    %mul3A_4 = arith.muli %add3A, %mul3A_3 : i32
    "tpu.region"() ({
      %run_scoped3A = tpu.sem_alloc : memref<!tpu.dma_semaphore, #tpu.memory_space<semaphore_mem>>
      %dma_start3A_67 = arith.constant 0 : i32
      %dma_start3A_68 = tpu.memref_slice %arg2[%mul3A_2, %dma_start3A_67] : memref<128x128xi32, #tpu.memory_space<hbm>> -> memref<4x128xi32, #tpu.memory_space<hbm>>
      %dma_start3A_69 = arith.constant 0 : i32
      %dma_start3A_70 = tpu.memref_slice %arg2[%mul3A_2, %dma_start3A_69] : memref<128x128xi32, #tpu.memory_space<hbm>> -> memref<4x128xi32, #tpu.memory_space<hbm>>
      tpu.enqueue_dma source(%dma_start3A_70 : memref<4x128xi32, #tpu.memory_space<hbm>>) target(%arg5 : memref<4x128xi32, #tpu.memory_space<vmem>>) target_semaphore(%run_scoped3A : memref<!tpu.dma_semaphore, #tpu.memory_space<semaphore_mem>>)
      %dma_wait3A_71 = arith.constant 0 : i32
      %dma_wait3A_72 = tpu.memref_slice %arg2[%mul3A_2, %dma_wait3A_71] : memref<128x128xi32, #tpu.memory_space<hbm>> -> memref<4x128xi32, #tpu.memory_space<hbm>>
      %dma_wait3A_73 = arith.constant 0 : i32
      %dma_wait3A_74 = tpu.memref_slice %arg2[%mul3A_2, %dma_wait3A_73] : memref<128x128xi32, #tpu.memory_space<hbm>> -> memref<4x128xi32, #tpu.memory_space<hbm>>
      tpu.wait_dma2 semaphore(%run_scoped3A : memref<!tpu.dma_semaphore, #tpu.memory_space<semaphore_mem>>) src(%dma_wait3A_74 : memref<4x128xi32, #tpu.memory_space<hbm>>) dst(%arg5 : memref<4x128xi32, #tpu.memory_space<vmem>>)
      tpu.yield
    }) : () -> ()
    %dma_start3A = arith.constant 0 : i32
    %dma_start3A_5 = arith.constant 0 : i32
    %dma_start3A_6 = tpu.memref_slice %arg5[%dma_start3A, %dma_start3A_5] : memref<4x128xi32, #tpu.memory_space<vmem>> -> memref<1x128xi32, #tpu.memory_space<vmem>>
    %dma_start3A_7 = tpu.memref_squeeze %dma_start3A_6 : memref<1x128xi32, #tpu.memory_space<vmem>> -> memref<128xi32, #tpu.memory_space<vmem>>
    %dma_start3A_8 = arith.constant 0 : i32
    %dma_start3A_9 = arith.constant 0 : i32
    %dma_start3A_10 = tpu.memref_slice %arg3[%dma_start3A_8, %dma_start3A_9] : memref<507904x128xf32, #tpu.memory_space<hbm>> -> memref<507904x128xf32, #tpu.memory_space<hbm>>
    tpu.enqueue_indirect_dma source(%dma_start3A_10 : memref<507904x128xf32, #tpu.memory_space<hbm>>) target(%arg6 : memref<128x128xf32, #tpu.memory_space<vmem>>) offsets(%dma_start3A_7 : memref<128xi32, #tpu.memory_space<vmem>>) semaphore(%arg8 : memref<!tpu.dma_semaphore, #tpu.memory_space<semaphore_mem>>)
    %dma_start3A_11 = arith.constant 1 : i32
    %dma_start3A_12 = arith.constant 0 : i32
    %dma_start3A_13 = tpu.memref_slice %arg5[%dma_start3A_11, %dma_start3A_12] : memref<4x128xi32, #tpu.memory_space<vmem>> -> memref<1x128xi32, #tpu.memory_space<vmem>>
    %dma_start3A_14 = tpu.memref_squeeze %dma_start3A_13 : memref<1x128xi32, #tpu.memory_space<vmem>> -> memref<128xi32, #tpu.memory_space<vmem>>
    %dma_start3A_15 = arith.constant 0 : i32
    %dma_start3A_16 = arith.constant 0 : i32
    %dma_start3A_17 = tpu.memref_slice %arg3[%dma_start3A_15, %dma_start3A_16] : memref<507904x128xf32, #tpu.memory_space<hbm>> -> memref<507904x128xf32, #tpu.memory_space<hbm>>
    tpu.enqueue_indirect_dma source(%dma_start3A_17 : memref<507904x128xf32, #tpu.memory_space<hbm>>) target(%arg7 : memref<128x128xf32, #tpu.memory_space<vmem>>) offsets(%dma_start3A_14 : memref<128xi32, #tpu.memory_space<vmem>>) semaphore(%arg8 : memref<!tpu.dma_semaphore, #tpu.memory_space<semaphore_mem>>)
    %dma_wait3A = arith.constant 0 : i32
    %dma_wait3A_18 = arith.constant 0 : i32
    %dma_wait3A_19 = tpu.memref_slice %arg5[%dma_wait3A, %dma_wait3A_18] : memref<4x128xi32, #tpu.memory_space<vmem>> -> memref<1x128xi32, #tpu.memory_space<vmem>>
    %dma_wait3A_20 = tpu.memref_squeeze %dma_wait3A_19 : memref<1x128xi32, #tpu.memory_space<vmem>> -> memref<128xi32, #tpu.memory_space<vmem>>
    %dma_wait3A_21 = arith.constant 0 : i32
    %dma_wait3A_22 = arith.constant 0 : i32
    %dma_wait3A_23 = tpu.memref_slice %arg3[%dma_wait3A_21, %dma_wait3A_22] : memref<507904x128xf32, #tpu.memory_space<hbm>> -> memref<507904x128xf32, #tpu.memory_space<hbm>>
    tpu.wait_indirect_dma semaphore(%arg8 : memref<!tpu.dma_semaphore, #tpu.memory_space<semaphore_mem>>) src(%dma_wait3A_23 : memref<507904x128xf32, #tpu.memory_space<hbm>>) dst(%arg6 : memref<128x128xf32, #tpu.memory_space<vmem>>)
    %add3A_24 = arith.constant 0 : i32
    %add3A_25 = arith.addi %mul3A_4, %add3A_24 : i32
    "tpu.region"() ({
      %run_scoped3A = tpu.sem_alloc : memref<!tpu.dma_semaphore, #tpu.memory_space<semaphore_mem>>
      %dma_start3A_67 = arith.constant 0 : i32
      %dma_start3A_68 = tpu.memref_slice %arg4[%add3A_25, %dma_start3A_67] : memref<16384x128xf32, #tpu.memory_space<hbm>> -> memref<128x128xf32, #tpu.memory_space<hbm>>
      %dma_start3A_69 = arith.constant 0 : i32
      %dma_start3A_70 = tpu.memref_slice %arg4[%add3A_25, %dma_start3A_69] : memref<16384x128xf32, #tpu.memory_space<hbm>> -> memref<128x128xf32, #tpu.memory_space<hbm>>
      tpu.enqueue_dma source(%arg6 : memref<128x128xf32, #tpu.memory_space<vmem>>) target(%dma_start3A_70 : memref<128x128xf32, #tpu.memory_space<hbm>>) target_semaphore(%run_scoped3A : memref<!tpu.dma_semaphore, #tpu.memory_space<semaphore_mem>>)
      %dma_wait3A_71 = arith.constant 0 : i32
      %dma_wait3A_72 = tpu.memref_slice %arg4[%add3A_25, %dma_wait3A_71] : memref<16384x128xf32, #tpu.memory_space<hbm>> -> memref<128x128xf32, #tpu.memory_space<hbm>>
      %dma_wait3A_73 = arith.constant 0 : i32
      %dma_wait3A_74 = tpu.memref_slice %arg4[%add3A_25, %dma_wait3A_73] : memref<16384x128xf32, #tpu.memory_space<hbm>> -> memref<128x128xf32, #tpu.memory_space<hbm>>
      tpu.wait_dma2 semaphore(%run_scoped3A : memref<!tpu.dma_semaphore, #tpu.memory_space<semaphore_mem>>) src(%arg6 : memref<128x128xf32, #tpu.memory_space<vmem>>) dst(%dma_wait3A_74 : memref<128x128xf32, #tpu.memory_space<hbm>>)
      tpu.yield
    }) : () -> ()
    %dma_start3A_26 = arith.constant 2 : i32
    %dma_start3A_27 = arith.constant 0 : i32
    %dma_start3A_28 = tpu.memref_slice %arg5[%dma_start3A_26, %dma_start3A_27] : memref<4x128xi32, #tpu.memory_space<vmem>> -> memref<1x128xi32, #tpu.memory_space<vmem>>
    %dma_start3A_29 = tpu.memref_squeeze %dma_start3A_28 : memref<1x128xi32, #tpu.memory_space<vmem>> -> memref<128xi32, #tpu.memory_space<vmem>>
    %dma_start3A_30 = arith.constant 0 : i32
    %dma_start3A_31 = arith.constant 0 : i32
    %dma_start3A_32 = tpu.memref_slice %arg3[%dma_start3A_30, %dma_start3A_31] : memref<507904x128xf32, #tpu.memory_space<hbm>> -> memref<507904x128xf32, #tpu.memory_space<hbm>>
    tpu.enqueue_indirect_dma source(%dma_start3A_32 : memref<507904x128xf32, #tpu.memory_space<hbm>>) target(%arg6 : memref<128x128xf32, #tpu.memory_space<vmem>>) offsets(%dma_start3A_29 : memref<128xi32, #tpu.memory_space<vmem>>) semaphore(%arg8 : memref<!tpu.dma_semaphore, #tpu.memory_space<semaphore_mem>>)
    %dma_wait3A_33 = arith.constant 1 : i32
    %dma_wait3A_34 = arith.constant 0 : i32
    %dma_wait3A_35 = tpu.memref_slice %arg5[%dma_wait3A_33, %dma_wait3A_34] : memref<4x128xi32, #tpu.memory_space<vmem>> -> memref<1x128xi32, #tpu.memory_space<vmem>>
    %dma_wait3A_36 = tpu.memref_squeeze %dma_wait3A_35 : memref<1x128xi32, #tpu.memory_space<vmem>> -> memref<128xi32, #tpu.memory_space<vmem>>
    %dma_wait3A_37 = arith.constant 0 : i32
    %dma_wait3A_38 = arith.constant 0 : i32
    %dma_wait3A_39 = tpu.memref_slice %arg3[%dma_wait3A_37, %dma_wait3A_38] : memref<507904x128xf32, #tpu.memory_space<hbm>> -> memref<507904x128xf32, #tpu.memory_space<hbm>>
    tpu.wait_indirect_dma semaphore(%arg8 : memref<!tpu.dma_semaphore, #tpu.memory_space<semaphore_mem>>) src(%dma_wait3A_39 : memref<507904x128xf32, #tpu.memory_space<hbm>>) dst(%arg7 : memref<128x128xf32, #tpu.memory_space<vmem>>)
    %add3A_40 = arith.constant 128 : i32
    %add3A_41 = arith.addi %mul3A_4, %add3A_40 : i32
    "tpu.region"() ({
      %run_scoped3A = tpu.sem_alloc : memref<!tpu.dma_semaphore, #tpu.memory_space<semaphore_mem>>
      %dma_start3A_67 = arith.constant 0 : i32
      %dma_start3A_68 = tpu.memref_slice %arg4[%add3A_41, %dma_start3A_67] : memref<16384x128xf32, #tpu.memory_space<hbm>> -> memref<128x128xf32, #tpu.memory_space<hbm>>
      %dma_start3A_69 = arith.constant 0 : i32
      %dma_start3A_70 = tpu.memref_slice %arg4[%add3A_41, %dma_start3A_69] : memref<16384x128xf32, #tpu.memory_space<hbm>> -> memref<128x128xf32, #tpu.memory_space<hbm>>
      tpu.enqueue_dma source(%arg7 : memref<128x128xf32, #tpu.memory_space<vmem>>) target(%dma_start3A_70 : memref<128x128xf32, #tpu.memory_space<hbm>>) target_semaphore(%run_scoped3A : memref<!tpu.dma_semaphore, #tpu.memory_space<semaphore_mem>>)
      %dma_wait3A_71 = arith.constant 0 : i32
      %dma_wait3A_72 = tpu.memref_slice %arg4[%add3A_41, %dma_wait3A_71] : memref<16384x128xf32, #tpu.memory_space<hbm>> -> memref<128x128xf32, #tpu.memory_space<hbm>>
      %dma_wait3A_73 = arith.constant 0 : i32
      %dma_wait3A_74 = tpu.memref_slice %arg4[%add3A_41, %dma_wait3A_73] : memref<16384x128xf32, #tpu.memory_space<hbm>> -> memref<128x128xf32, #tpu.memory_space<hbm>>
      tpu.wait_dma2 semaphore(%run_scoped3A : memref<!tpu.dma_semaphore, #tpu.memory_space<semaphore_mem>>) src(%arg7 : memref<128x128xf32, #tpu.memory_space<vmem>>) dst(%dma_wait3A_74 : memref<128x128xf32, #tpu.memory_space<hbm>>)
      tpu.yield
    }) : () -> ()
    %dma_start3A_42 = arith.constant 3 : i32
    %dma_start3A_43 = arith.constant 0 : i32
    %dma_start3A_44 = tpu.memref_slice %arg5[%dma_start3A_42, %dma_start3A_43] : memref<4x128xi32, #tpu.memory_space<vmem>> -> memref<1x128xi32, #tpu.memory_space<vmem>>
    %dma_start3A_45 = tpu.memref_squeeze %dma_start3A_44 : memref<1x128xi32, #tpu.memory_space<vmem>> -> memref<128xi32, #tpu.memory_space<vmem>>
    %dma_start3A_46 = arith.constant 0 : i32
    %dma_start3A_47 = arith.constant 0 : i32
    %dma_start3A_48 = tpu.memref_slice %arg3[%dma_start3A_46, %dma_start3A_47] : memref<507904x128xf32, #tpu.memory_space<hbm>> -> memref<507904x128xf32, #tpu.memory_space<hbm>>
    tpu.enqueue_indirect_dma source(%dma_start3A_48 : memref<507904x128xf32, #tpu.memory_space<hbm>>) target(%arg7 : memref<128x128xf32, #tpu.memory_space<vmem>>) offsets(%dma_start3A_45 : memref<128xi32, #tpu.memory_space<vmem>>) semaphore(%arg8 : memref<!tpu.dma_semaphore, #tpu.memory_space<semaphore_mem>>)
    %dma_wait3A_49 = arith.constant 2 : i32
    %dma_wait3A_50 = arith.constant 0 : i32
    %dma_wait3A_51 = tpu.memref_slice %arg5[%dma_wait3A_49, %dma_wait3A_50] : memref<4x128xi32, #tpu.memory_space<vmem>> -> memref<1x128xi32, #tpu.memory_space<vmem>>
    %dma_wait3A_52 = tpu.memref_squeeze %dma_wait3A_51 : memref<1x128xi32, #tpu.memory_space<vmem>> -> memref<128xi32, #tpu.memory_space<vmem>>
    %dma_wait3A_53 = arith.constant 0 : i32
    %dma_wait3A_54 = arith.constant 0 : i32
    %dma_wait3A_55 = tpu.memref_slice %arg3[%dma_wait3A_53, %dma_wait3A_54] : memref<507904x128xf32, #tpu.memory_space<hbm>> -> memref<507904x128xf32, #tpu.memory_space<hbm>>
    tpu.wait_indirect_dma semaphore(%arg8 : memref<!tpu.dma_semaphore, #tpu.memory_space<semaphore_mem>>) src(%dma_wait3A_55 : memref<507904x128xf32, #tpu.memory_space<hbm>>) dst(%arg6 : memref<128x128xf32, #tpu.memory_space<vmem>>)
    %add3A_56 = arith.constant 256 : i32
    %add3A_57 = arith.addi %mul3A_4, %add3A_56 : i32
    "tpu.region"() ({
      %run_scoped3A = tpu.sem_alloc : memref<!tpu.dma_semaphore, #tpu.memory_space<semaphore_mem>>
      %dma_start3A_67 = arith.constant 0 : i32
      %dma_start3A_68 = tpu.memref_slice %arg4[%add3A_57, %dma_start3A_67] : memref<16384x128xf32, #tpu.memory_space<hbm>> -> memref<128x128xf32, #tpu.memory_space<hbm>>
      %dma_start3A_69 = arith.constant 0 : i32
      %dma_start3A_70 = tpu.memref_slice %arg4[%add3A_57, %dma_start3A_69] : memref<16384x128xf32, #tpu.memory_space<hbm>> -> memref<128x128xf32, #tpu.memory_space<hbm>>
      tpu.enqueue_dma source(%arg6 : memref<128x128xf32, #tpu.memory_space<vmem>>) target(%dma_start3A_70 : memref<128x128xf32, #tpu.memory_space<hbm>>) target_semaphore(%run_scoped3A : memref<!tpu.dma_semaphore, #tpu.memory_space<semaphore_mem>>)
      %dma_wait3A_71 = arith.constant 0 : i32
      %dma_wait3A_72 = tpu.memref_slice %arg4[%add3A_57, %dma_wait3A_71] : memref<16384x128xf32, #tpu.memory_space<hbm>> -> memref<128x128xf32, #tpu.memory_space<hbm>>
      %dma_wait3A_73 = arith.constant 0 : i32
      %dma_wait3A_74 = tpu.memref_slice %arg4[%add3A_57, %dma_wait3A_73] : memref<16384x128xf32, #tpu.memory_space<hbm>> -> memref<128x128xf32, #tpu.memory_space<hbm>>
      tpu.wait_dma2 semaphore(%run_scoped3A : memref<!tpu.dma_semaphore, #tpu.memory_space<semaphore_mem>>) src(%arg6 : memref<128x128xf32, #tpu.memory_space<vmem>>) dst(%dma_wait3A_74 : memref<128x128xf32, #tpu.memory_space<hbm>>)
      tpu.yield
    }) : () -> ()
    %dma_wait3A_58 = arith.constant 3 : i32
    %dma_wait3A_59 = arith.constant 0 : i32
    %dma_wait3A_60 = tpu.memref_slice %arg5[%dma_wait3A_58, %dma_wait3A_59] : memref<4x128xi32, #tpu.memory_space<vmem>> -> memref<1x128xi32, #tpu.memory_space<vmem>>
    %dma_wait3A_61 = tpu.memref_squeeze %dma_wait3A_60 : memref<1x128xi32, #tpu.memory_space<vmem>> -> memref<128xi32, #tpu.memory_space<vmem>>
    %dma_wait3A_62 = arith.constant 0 : i32
    %dma_wait3A_63 = arith.constant 0 : i32
    %dma_wait3A_64 = tpu.memref_slice %arg3[%dma_wait3A_62, %dma_wait3A_63] : memref<507904x128xf32, #tpu.memory_space<hbm>> -> memref<507904x128xf32, #tpu.memory_space<hbm>>
    tpu.wait_indirect_dma semaphore(%arg8 : memref<!tpu.dma_semaphore, #tpu.memory_space<semaphore_mem>>) src(%dma_wait3A_64 : memref<507904x128xf32, #tpu.memory_space<hbm>>) dst(%arg7 : memref<128x128xf32, #tpu.memory_space<vmem>>)
    %add3A_65 = arith.constant 384 : i32
    %add3A_66 = arith.addi %mul3A_4, %add3A_65 : i32
    "tpu.region"() ({
      %run_scoped3A = tpu.sem_alloc : memref<!tpu.dma_semaphore, #tpu.memory_space<semaphore_mem>>
      %dma_start3A_67 = arith.constant 0 : i32
      %dma_start3A_68 = tpu.memref_slice %arg4[%add3A_66, %dma_start3A_67] : memref<16384x128xf32, #tpu.memory_space<hbm>> -> memref<128x128xf32, #tpu.memory_space<hbm>>
      %dma_start3A_69 = arith.constant 0 : i32
      %dma_start3A_70 = tpu.memref_slice %arg4[%add3A_66, %dma_start3A_69] : memref<16384x128xf32, #tpu.memory_space<hbm>> -> memref<128x128xf32, #tpu.memory_space<hbm>>
      tpu.enqueue_dma source(%arg7 : memref<128x128xf32, #tpu.memory_space<vmem>>) target(%dma_start3A_70 : memref<128x128xf32, #tpu.memory_space<hbm>>) target_semaphore(%run_scoped3A : memref<!tpu.dma_semaphore, #tpu.memory_space<semaphore_mem>>)
      %dma_wait3A_71 = arith.constant 0 : i32
      %dma_wait3A_72 = tpu.memref_slice %arg4[%add3A_66, %dma_wait3A_71] : memref<16384x128xf32, #tpu.memory_space<hbm>> -> memref<128x128xf32, #tpu.memory_space<hbm>>
      %dma_wait3A_73 = arith.constant 0 : i32
      %dma_wait3A_74 = tpu.memref_slice %arg4[%add3A_66, %dma_wait3A_73] : memref<16384x128xf32, #tpu.memory_space<hbm>> -> memref<128x128xf32, #tpu.memory_space<hbm>>
      tpu.wait_dma2 semaphore(%run_scoped3A : memref<!tpu.dma_semaphore, #tpu.memory_space<semaphore_mem>>) src(%arg7 : memref<128x128xf32, #tpu.memory_space<vmem>>) dst(%dma_wait3A_74 : memref<128x128xf32, #tpu.memory_space<hbm>>)
      tpu.yield
    }) : () -> ()
    return
  }
}

#map = affine_map<(d0, d1) -> (0, 0)>
module attributes {stable_mosaic.version = 14 : i64} {
  func.func @k(%arg0: i32, %arg1: i32, %arg2: memref<128x128xi32, #tpu.memory_space<hbm>>, %arg3: memref<65536x128xf32, #tpu.memory_space<hbm>>, %arg4: memref<16384x128xf32, #tpu.memory_space<hbm>>, %arg5: memref<4x128xi32, #tpu.memory_space<vmem>>, %arg6: memref<128x128xf32, #tpu.memory_space<vmem>>, %arg7: memref<128x128xf32, #tpu.memory_space<vmem>>, %arg8: memref<!tpu.dma_semaphore, #tpu.memory_space<semaphore_mem>>) attributes {dimension_semantics = [#tpu.dimension_semantics<core_parallel>, #tpu.dimension_semantics<subcore_parallel>], iteration_bounds = array<i64: 2, 16>, scalar_prefetch = 0 : i64, scratch_operands = 4 : i64, tpu.core_type = #tpu.core_type<sc_vector_subcore>, window_params = [{transform_indices = #map}, {transform_indices = #map}, {transform_indices = #map}]} {
    %mul3A = arith.constant 2 : i32
    %mul3A_0 = arith.muli %arg1, %mul3A : i32
    %add3A = arith.addi %mul3A_0, %arg0 : i32
    %mul3A_1 = arith.constant 4 : i32
    %mul3A_2 = arith.muli %add3A, %mul3A_1 : i32
    %mul3A_3 = arith.constant 512 : i32
    %mul3A_4 = arith.muli %add3A, %mul3A_3 : i32
    "tpu.region"() ({
      %run_scoped3A = tpu.sem_alloc : memref<!tpu.dma_semaphore, #tpu.memory_space<semaphore_mem>>
      %dma_start3A_67 = arith.constant 0 : i32
      %dma_start3A_68 = tpu.memref_slice %arg2[%mul3A_2, %dma_start3A_67] : memref<128x128xi32, #tpu.memory_space<hbm>> -> memref<4x128xi32, #tpu.memory_space<hbm>>
      %dma_start3A_69 = arith.constant 0 : i32
      %dma_start3A_70 = tpu.memref_slice %arg2[%mul3A_2, %dma_start3A_69] : memref<128x128xi32, #tpu.memory_space<hbm>> -> memref<4x128xi32, #tpu.memory_space<hbm>>
      tpu.enqueue_dma source(%dma_start3A_70 : memref<4x128xi32, #tpu.memory_space<hbm>>) target(%arg5 : memref<4x128xi32, #tpu.memory_space<vmem>>) target_semaphore(%run_scoped3A : memref<!tpu.dma_semaphore, #tpu.memory_space<semaphore_mem>>)
      %dma_wait3A_71 = arith.constant 0 : i32
      %dma_wait3A_72 = tpu.memref_slice %arg2[%mul3A_2, %dma_wait3A_71] : memref<128x128xi32, #tpu.memory_space<hbm>> -> memref<4x128xi32, #tpu.memory_space<hbm>>
      %dma_wait3A_73 = arith.constant 0 : i32
      %dma_wait3A_74 = tpu.memref_slice %arg2[%mul3A_2, %dma_wait3A_73] : memref<128x128xi32, #tpu.memory_space<hbm>> -> memref<4x128xi32, #tpu.memory_space<hbm>>
      tpu.wait_dma2 semaphore(%run_scoped3A : memref<!tpu.dma_semaphore, #tpu.memory_space<semaphore_mem>>) src(%dma_wait3A_74 : memref<4x128xi32, #tpu.memory_space<hbm>>) dst(%arg5 : memref<4x128xi32, #tpu.memory_space<vmem>>)
      tpu.yield
    }) : () -> ()
    %dma_start3A = arith.constant 0 : i32
    %dma_start3A_5 = arith.constant 0 : i32
    %dma_start3A_6 = tpu.memref_slice %arg5[%dma_start3A, %dma_start3A_5] : memref<4x128xi32, #tpu.memory_space<vmem>> -> memref<1x128xi32, #tpu.memory_space<vmem>>
    %dma_start3A_7 = tpu.memref_squeeze %dma_start3A_6 : memref<1x128xi32, #tpu.memory_space<vmem>> -> memref<128xi32, #tpu.memory_space<vmem>>
    %dma_start3A_8 = arith.constant 0 : i32
    %dma_start3A_9 = arith.constant 0 : i32
    %dma_start3A_10 = tpu.memref_slice %arg3[%dma_start3A_8, %dma_start3A_9] : memref<65536x128xf32, #tpu.memory_space<hbm>> -> memref<65536x128xf32, #tpu.memory_space<hbm>>
    tpu.enqueue_indirect_dma source(%dma_start3A_10 : memref<65536x128xf32, #tpu.memory_space<hbm>>) target(%arg6 : memref<128x128xf32, #tpu.memory_space<vmem>>) offsets(%dma_start3A_7 : memref<128xi32, #tpu.memory_space<vmem>>) semaphore(%arg8 : memref<!tpu.dma_semaphore, #tpu.memory_space<semaphore_mem>>)
    %dma_start3A_11 = arith.constant 1 : i32
    %dma_start3A_12 = arith.constant 0 : i32
    %dma_start3A_13 = tpu.memref_slice %arg5[%dma_start3A_11, %dma_start3A_12] : memref<4x128xi32, #tpu.memory_space<vmem>> -> memref<1x128xi32, #tpu.memory_space<vmem>>
    %dma_start3A_14 = tpu.memref_squeeze %dma_start3A_13 : memref<1x128xi32, #tpu.memory_space<vmem>> -> memref<128xi32, #tpu.memory_space<vmem>>
    %dma_start3A_15 = arith.constant 0 : i32
    %dma_start3A_16 = arith.constant 0 : i32
    %dma_start3A_17 = tpu.memref_slice %arg3[%dma_start3A_15, %dma_start3A_16] : memref<65536x128xf32, #tpu.memory_space<hbm>> -> memref<65536x128xf32, #tpu.memory_space<hbm>>
    tpu.enqueue_indirect_dma source(%dma_start3A_17 : memref<65536x128xf32, #tpu.memory_space<hbm>>) target(%arg7 : memref<128x128xf32, #tpu.memory_space<vmem>>) offsets(%dma_start3A_14 : memref<128xi32, #tpu.memory_space<vmem>>) semaphore(%arg8 : memref<!tpu.dma_semaphore, #tpu.memory_space<semaphore_mem>>)
    %dma_wait3A = arith.constant 0 : i32
    %dma_wait3A_18 = arith.constant 0 : i32
    %dma_wait3A_19 = tpu.memref_slice %arg5[%dma_wait3A, %dma_wait3A_18] : memref<4x128xi32, #tpu.memory_space<vmem>> -> memref<1x128xi32, #tpu.memory_space<vmem>>
    %dma_wait3A_20 = tpu.memref_squeeze %dma_wait3A_19 : memref<1x128xi32, #tpu.memory_space<vmem>> -> memref<128xi32, #tpu.memory_space<vmem>>
    %dma_wait3A_21 = arith.constant 0 : i32
    %dma_wait3A_22 = arith.constant 0 : i32
    %dma_wait3A_23 = tpu.memref_slice %arg3[%dma_wait3A_21, %dma_wait3A_22] : memref<65536x128xf32, #tpu.memory_space<hbm>> -> memref<65536x128xf32, #tpu.memory_space<hbm>>
    tpu.wait_indirect_dma semaphore(%arg8 : memref<!tpu.dma_semaphore, #tpu.memory_space<semaphore_mem>>) src(%dma_wait3A_23 : memref<65536x128xf32, #tpu.memory_space<hbm>>) dst(%arg6 : memref<128x128xf32, #tpu.memory_space<vmem>>)
    %add3A_24 = arith.constant 0 : i32
    %add3A_25 = arith.addi %mul3A_4, %add3A_24 : i32
    "tpu.region"() ({
      %run_scoped3A = tpu.sem_alloc : memref<!tpu.dma_semaphore, #tpu.memory_space<semaphore_mem>>
      %dma_start3A_67 = arith.constant 0 : i32
      %dma_start3A_68 = tpu.memref_slice %arg4[%add3A_25, %dma_start3A_67] : memref<16384x128xf32, #tpu.memory_space<hbm>> -> memref<128x128xf32, #tpu.memory_space<hbm>>
      %dma_start3A_69 = arith.constant 0 : i32
      %dma_start3A_70 = tpu.memref_slice %arg4[%add3A_25, %dma_start3A_69] : memref<16384x128xf32, #tpu.memory_space<hbm>> -> memref<128x128xf32, #tpu.memory_space<hbm>>
      tpu.enqueue_dma source(%arg6 : memref<128x128xf32, #tpu.memory_space<vmem>>) target(%dma_start3A_70 : memref<128x128xf32, #tpu.memory_space<hbm>>) target_semaphore(%run_scoped3A : memref<!tpu.dma_semaphore, #tpu.memory_space<semaphore_mem>>)
      %dma_wait3A_71 = arith.constant 0 : i32
      %dma_wait3A_72 = tpu.memref_slice %arg4[%add3A_25, %dma_wait3A_71] : memref<16384x128xf32, #tpu.memory_space<hbm>> -> memref<128x128xf32, #tpu.memory_space<hbm>>
      %dma_wait3A_73 = arith.constant 0 : i32
      %dma_wait3A_74 = tpu.memref_slice %arg4[%add3A_25, %dma_wait3A_73] : memref<16384x128xf32, #tpu.memory_space<hbm>> -> memref<128x128xf32, #tpu.memory_space<hbm>>
      tpu.wait_dma2 semaphore(%run_scoped3A : memref<!tpu.dma_semaphore, #tpu.memory_space<semaphore_mem>>) src(%arg6 : memref<128x128xf32, #tpu.memory_space<vmem>>) dst(%dma_wait3A_74 : memref<128x128xf32, #tpu.memory_space<hbm>>)
      tpu.yield
    }) : () -> ()
    %dma_start3A_26 = arith.constant 2 : i32
    %dma_start3A_27 = arith.constant 0 : i32
    %dma_start3A_28 = tpu.memref_slice %arg5[%dma_start3A_26, %dma_start3A_27] : memref<4x128xi32, #tpu.memory_space<vmem>> -> memref<1x128xi32, #tpu.memory_space<vmem>>
    %dma_start3A_29 = tpu.memref_squeeze %dma_start3A_28 : memref<1x128xi32, #tpu.memory_space<vmem>> -> memref<128xi32, #tpu.memory_space<vmem>>
    %dma_start3A_30 = arith.constant 0 : i32
    %dma_start3A_31 = arith.constant 0 : i32
    %dma_start3A_32 = tpu.memref_slice %arg3[%dma_start3A_30, %dma_start3A_31] : memref<65536x128xf32, #tpu.memory_space<hbm>> -> memref<65536x128xf32, #tpu.memory_space<hbm>>
    tpu.enqueue_indirect_dma source(%dma_start3A_32 : memref<65536x128xf32, #tpu.memory_space<hbm>>) target(%arg6 : memref<128x128xf32, #tpu.memory_space<vmem>>) offsets(%dma_start3A_29 : memref<128xi32, #tpu.memory_space<vmem>>) semaphore(%arg8 : memref<!tpu.dma_semaphore, #tpu.memory_space<semaphore_mem>>)
    %dma_wait3A_33 = arith.constant 1 : i32
    %dma_wait3A_34 = arith.constant 0 : i32
    %dma_wait3A_35 = tpu.memref_slice %arg5[%dma_wait3A_33, %dma_wait3A_34] : memref<4x128xi32, #tpu.memory_space<vmem>> -> memref<1x128xi32, #tpu.memory_space<vmem>>
    %dma_wait3A_36 = tpu.memref_squeeze %dma_wait3A_35 : memref<1x128xi32, #tpu.memory_space<vmem>> -> memref<128xi32, #tpu.memory_space<vmem>>
    %dma_wait3A_37 = arith.constant 0 : i32
    %dma_wait3A_38 = arith.constant 0 : i32
    %dma_wait3A_39 = tpu.memref_slice %arg3[%dma_wait3A_37, %dma_wait3A_38] : memref<65536x128xf32, #tpu.memory_space<hbm>> -> memref<65536x128xf32, #tpu.memory_space<hbm>>
    tpu.wait_indirect_dma semaphore(%arg8 : memref<!tpu.dma_semaphore, #tpu.memory_space<semaphore_mem>>) src(%dma_wait3A_39 : memref<65536x128xf32, #tpu.memory_space<hbm>>) dst(%arg7 : memref<128x128xf32, #tpu.memory_space<vmem>>)
    %add3A_40 = arith.constant 128 : i32
    %add3A_41 = arith.addi %mul3A_4, %add3A_40 : i32
    "tpu.region"() ({
      %run_scoped3A = tpu.sem_alloc : memref<!tpu.dma_semaphore, #tpu.memory_space<semaphore_mem>>
      %dma_start3A_67 = arith.constant 0 : i32
      %dma_start3A_68 = tpu.memref_slice %arg4[%add3A_41, %dma_start3A_67] : memref<16384x128xf32, #tpu.memory_space<hbm>> -> memref<128x128xf32, #tpu.memory_space<hbm>>
      %dma_start3A_69 = arith.constant 0 : i32
      %dma_start3A_70 = tpu.memref_slice %arg4[%add3A_41, %dma_start3A_69] : memref<16384x128xf32, #tpu.memory_space<hbm>> -> memref<128x128xf32, #tpu.memory_space<hbm>>
      tpu.enqueue_dma source(%arg7 : memref<128x128xf32, #tpu.memory_space<vmem>>) target(%dma_start3A_70 : memref<128x128xf32, #tpu.memory_space<hbm>>) target_semaphore(%run_scoped3A : memref<!tpu.dma_semaphore, #tpu.memory_space<semaphore_mem>>)
      %dma_wait3A_71 = arith.constant 0 : i32
      %dma_wait3A_72 = tpu.memref_slice %arg4[%add3A_41, %dma_wait3A_71] : memref<16384x128xf32, #tpu.memory_space<hbm>> -> memref<128x128xf32, #tpu.memory_space<hbm>>
      %dma_wait3A_73 = arith.constant 0 : i32
      %dma_wait3A_74 = tpu.memref_slice %arg4[%add3A_41, %dma_wait3A_73] : memref<16384x128xf32, #tpu.memory_space<hbm>> -> memref<128x128xf32, #tpu.memory_space<hbm>>
      tpu.wait_dma2 semaphore(%run_scoped3A : memref<!tpu.dma_semaphore, #tpu.memory_space<semaphore_mem>>) src(%arg7 : memref<128x128xf32, #tpu.memory_space<vmem>>) dst(%dma_wait3A_74 : memref<128x128xf32, #tpu.memory_space<hbm>>)
      tpu.yield
    }) : () -> ()
    %dma_start3A_42 = arith.constant 3 : i32
    %dma_start3A_43 = arith.constant 0 : i32
    %dma_start3A_44 = tpu.memref_slice %arg5[%dma_start3A_42, %dma_start3A_43] : memref<4x128xi32, #tpu.memory_space<vmem>> -> memref<1x128xi32, #tpu.memory_space<vmem>>
    %dma_start3A_45 = tpu.memref_squeeze %dma_start3A_44 : memref<1x128xi32, #tpu.memory_space<vmem>> -> memref<128xi32, #tpu.memory_space<vmem>>
    %dma_start3A_46 = arith.constant 0 : i32
    %dma_start3A_47 = arith.constant 0 : i32
    %dma_start3A_48 = tpu.memref_slice %arg3[%dma_start3A_46, %dma_start3A_47] : memref<65536x128xf32, #tpu.memory_space<hbm>> -> memref<65536x128xf32, #tpu.memory_space<hbm>>
    tpu.enqueue_indirect_dma source(%dma_start3A_48 : memref<65536x128xf32, #tpu.memory_space<hbm>>) target(%arg7 : memref<128x128xf32, #tpu.memory_space<vmem>>) offsets(%dma_start3A_45 : memref<128xi32, #tpu.memory_space<vmem>>) semaphore(%arg8 : memref<!tpu.dma_semaphore, #tpu.memory_space<semaphore_mem>>)
    %dma_wait3A_49 = arith.constant 2 : i32
    %dma_wait3A_50 = arith.constant 0 : i32
    %dma_wait3A_51 = tpu.memref_slice %arg5[%dma_wait3A_49, %dma_wait3A_50] : memref<4x128xi32, #tpu.memory_space<vmem>> -> memref<1x128xi32, #tpu.memory_space<vmem>>
    %dma_wait3A_52 = tpu.memref_squeeze %dma_wait3A_51 : memref<1x128xi32, #tpu.memory_space<vmem>> -> memref<128xi32, #tpu.memory_space<vmem>>
    %dma_wait3A_53 = arith.constant 0 : i32
    %dma_wait3A_54 = arith.constant 0 : i32
    %dma_wait3A_55 = tpu.memref_slice %arg3[%dma_wait3A_53, %dma_wait3A_54] : memref<65536x128xf32, #tpu.memory_space<hbm>> -> memref<65536x128xf32, #tpu.memory_space<hbm>>
    tpu.wait_indirect_dma semaphore(%arg8 : memref<!tpu.dma_semaphore, #tpu.memory_space<semaphore_mem>>) src(%dma_wait3A_55 : memref<65536x128xf32, #tpu.memory_space<hbm>>) dst(%arg6 : memref<128x128xf32, #tpu.memory_space<vmem>>)
    %add3A_56 = arith.constant 256 : i32
    %add3A_57 = arith.addi %mul3A_4, %add3A_56 : i32
    "tpu.region"() ({
      %run_scoped3A = tpu.sem_alloc : memref<!tpu.dma_semaphore, #tpu.memory_space<semaphore_mem>>
      %dma_start3A_67 = arith.constant 0 : i32
      %dma_start3A_68 = tpu.memref_slice %arg4[%add3A_57, %dma_start3A_67] : memref<16384x128xf32, #tpu.memory_space<hbm>> -> memref<128x128xf32, #tpu.memory_space<hbm>>
      %dma_start3A_69 = arith.constant 0 : i32
      %dma_start3A_70 = tpu.memref_slice %arg4[%add3A_57, %dma_start3A_69] : memref<16384x128xf32, #tpu.memory_space<hbm>> -> memref<128x128xf32, #tpu.memory_space<hbm>>
      tpu.enqueue_dma source(%arg6 : memref<128x128xf32, #tpu.memory_space<vmem>>) target(%dma_start3A_70 : memref<128x128xf32, #tpu.memory_space<hbm>>) target_semaphore(%run_scoped3A : memref<!tpu.dma_semaphore, #tpu.memory_space<semaphore_mem>>)
      %dma_wait3A_71 = arith.constant 0 : i32
      %dma_wait3A_72 = tpu.memref_slice %arg4[%add3A_57, %dma_wait3A_71] : memref<16384x128xf32, #tpu.memory_space<hbm>> -> memref<128x128xf32, #tpu.memory_space<hbm>>
      %dma_wait3A_73 = arith.constant 0 : i32
      %dma_wait3A_74 = tpu.memref_slice %arg4[%add3A_57, %dma_wait3A_73] : memref<16384x128xf32, #tpu.memory_space<hbm>> -> memref<128x128xf32, #tpu.memory_space<hbm>>
      tpu.wait_dma2 semaphore(%run_scoped3A : memref<!tpu.dma_semaphore, #tpu.memory_space<semaphore_mem>>) src(%arg6 : memref<128x128xf32, #tpu.memory_space<vmem>>) dst(%dma_wait3A_74 : memref<128x128xf32, #tpu.memory_space<hbm>>)
      tpu.yield
    }) : () -> ()
    %dma_wait3A_58 = arith.constant 3 : i32
    %dma_wait3A_59 = arith.constant 0 : i32
    %dma_wait3A_60 = tpu.memref_slice %arg5[%dma_wait3A_58, %dma_wait3A_59] : memref<4x128xi32, #tpu.memory_space<vmem>> -> memref<1x128xi32, #tpu.memory_space<vmem>>
    %dma_wait3A_61 = tpu.memref_squeeze %dma_wait3A_60 : memref<1x128xi32, #tpu.memory_space<vmem>> -> memref<128xi32, #tpu.memory_space<vmem>>
    %dma_wait3A_62 = arith.constant 0 : i32
    %dma_wait3A_63 = arith.constant 0 : i32
    %dma_wait3A_64 = tpu.memref_slice %arg3[%dma_wait3A_62, %dma_wait3A_63] : memref<65536x128xf32, #tpu.memory_space<hbm>> -> memref<65536x128xf32, #tpu.memory_space<hbm>>
    tpu.wait_indirect_dma semaphore(%arg8 : memref<!tpu.dma_semaphore, #tpu.memory_space<semaphore_mem>>) src(%dma_wait3A_64 : memref<65536x128xf32, #tpu.memory_space<hbm>>) dst(%arg7 : memref<128x128xf32, #tpu.memory_space<vmem>>)
    %add3A_65 = arith.constant 384 : i32
    %add3A_66 = arith.addi %mul3A_4, %add3A_65 : i32
    "tpu.region"() ({
      %run_scoped3A = tpu.sem_alloc : memref<!tpu.dma_semaphore, #tpu.memory_space<semaphore_mem>>
      %dma_start3A_67 = arith.constant 0 : i32
      %dma_start3A_68 = tpu.memref_slice %arg4[%add3A_66, %dma_start3A_67] : memref<16384x128xf32, #tpu.memory_space<hbm>> -> memref<128x128xf32, #tpu.memory_space<hbm>>
      %dma_start3A_69 = arith.constant 0 : i32
      %dma_start3A_70 = tpu.memref_slice %arg4[%add3A_66, %dma_start3A_69] : memref<16384x128xf32, #tpu.memory_space<hbm>> -> memref<128x128xf32, #tpu.memory_space<hbm>>
      tpu.enqueue_dma source(%arg7 : memref<128x128xf32, #tpu.memory_space<vmem>>) target(%dma_start3A_70 : memref<128x128xf32, #tpu.memory_space<hbm>>) target_semaphore(%run_scoped3A : memref<!tpu.dma_semaphore, #tpu.memory_space<semaphore_mem>>)
      %dma_wait3A_71 = arith.constant 0 : i32
      %dma_wait3A_72 = tpu.memref_slice %arg4[%add3A_66, %dma_wait3A_71] : memref<16384x128xf32, #tpu.memory_space<hbm>> -> memref<128x128xf32, #tpu.memory_space<hbm>>
      %dma_wait3A_73 = arith.constant 0 : i32
      %dma_wait3A_74 = tpu.memref_slice %arg4[%add3A_66, %dma_wait3A_73] : memref<16384x128xf32, #tpu.memory_space<hbm>> -> memref<128x128xf32, #tpu.memory_space<hbm>>
      tpu.wait_dma2 semaphore(%run_scoped3A : memref<!tpu.dma_semaphore, #tpu.memory_space<semaphore_mem>>) src(%arg7 : memref<128x128xf32, #tpu.memory_space<vmem>>) dst(%dma_wait3A_74 : memref<128x128xf32, #tpu.memory_space<hbm>>)
      tpu.yield
    }) : () -> ()
    return
  }
}

module attributes {stable_mosaic.version = 14 : i64} {
  func.func @_pack_body(%arg0: i32, %arg1: memref<64x32768xf32, #tpu.memory_space<vmem>>, %arg2: memref<32x32768xf32, #tpu.memory_space<vmem>>, %arg3: memref<64x64xf32, #tpu.memory_space<vmem>>, %arg4: memref<32x32xf32, #tpu.memory_space<vmem>>, %arg5: memref<16384x128xf32, #tpu.memory_space<vmem>>) attributes {dimension_semantics = [#tpu.dimension_semantics<arbitrary>], iteration_bounds = array<i64: 31>, scalar_prefetch = 0 : i64, scratch_operands = 0 : i64, tpu.core_type = #tpu.core_type<tc>, window_params = [{transform_indices = @transform_0, window_bounds = array<i64: 64, 32768>}, {transform_indices = @transform_1, window_bounds = array<i64: 32, 32768>}, {pipeline_mode = #tpu.pipeline_mode<synchronous>, transform_indices = @transform_2, window_bounds = array<i64: 64, 64>}, {pipeline_mode = #tpu.pipeline_mode<synchronous>, transform_indices = @transform_3, window_bounds = array<i64: 32, 32>}, {transform_indices = @transform_4, window_bounds = array<i64: 16384, 128>}]} {
    %get3A = arith.constant 0 : index
    %get3A_0 = arith.constant 0 : index
    %get3A_1 = vector.load %arg1[%get3A, %get3A_0] : memref<64x32768xf32, #tpu.memory_space<vmem>>, vector<64x32768xf32>
    %convert_element_type3A = arith.truncf %get3A_1 : vector<64x32768xf32> to vector<64x32768xbf16>
    %get3A_2 = arith.constant 0 : index
    %get3A_3 = arith.constant 0 : index
    %get3A_4 = vector.load %arg3[%get3A_2, %get3A_3] : memref<64x64xf32, #tpu.memory_space<vmem>>, vector<64x64xf32>
    %convert_element_type3A_5 = arith.truncf %get3A_4 : vector<64x64xf32> to vector<64x64xbf16>
    %dot_general3A = arith.constant dense<0.000000e+00> : vector<32768x64xf32>
    %dot_general3A_6 = tpu.matmul %convert_element_type3A, %convert_element_type3A_5, %dot_general3A {dimension_numbers = #tpu.dot_dimension_numbers<[0], [0], [1], [1], [0, 1, 1, 1], [], []>, transpose_lhs_hint = true} : vector<64x32768xbf16>, vector<64x64xbf16>, vector<32768x64xf32> -> vector<32768x64xf32>
    %get3A_7 = arith.constant 0 : index
    %get3A_8 = arith.constant 0 : index
    %get3A_9 = vector.load %arg2[%get3A_7, %get3A_8] : memref<32x32768xf32, #tpu.memory_space<vmem>>, vector<32x32768xf32>
    %convert_element_type3A_10 = arith.truncf %get3A_9 : vector<32x32768xf32> to vector<32x32768xbf16>
    %get3A_11 = arith.constant 0 : index
    %get3A_12 = arith.constant 0 : index
    %get3A_13 = vector.load %arg4[%get3A_11, %get3A_12] : memref<32x32xf32, #tpu.memory_space<vmem>>, vector<32x32xf32>
    %convert_element_type3A_14 = arith.truncf %get3A_13 : vector<32x32xf32> to vector<32x32xbf16>
    %dot_general3A_15 = arith.constant dense<0.000000e+00> : vector<32768x32xf32>
    %dot_general3A_16 = tpu.matmul %convert_element_type3A_10, %convert_element_type3A_14, %dot_general3A_15 {dimension_numbers = #tpu.dot_dimension_numbers<[0], [0], [1], [1], [0, 1, 1, 1], [], []>, transpose_lhs_hint = true} : vector<32x32768xbf16>, vector<32x32xbf16>, vector<32768x32xf32> -> vector<32768x32xf32>
    %convert_element_type3A_17 = arith.truncf %dot_general3A_6 : vector<32768x64xf32> to vector<32768x64xbf16>
    %bitcast3A = tpu.bitcast %convert_element_type3A_17 : vector<32768x64xbf16> -> vector<16384x64xf32>
    %convert_element_type3A_18 = arith.truncf %dot_general3A_16 : vector<32768x32xf32> to vector<32768x32xbf16>
    %bitcast3A_19 = tpu.bitcast %convert_element_type3A_18 : vector<32768x32xbf16> -> vector<16384x32xf32>
    %swap3A = arith.constant 0 : index
    %swap3A_20 = arith.constant 0 : index
    %swap3A_21 = vector.load %arg5[%swap3A, %swap3A_20] : memref<16384x128xf32, #tpu.memory_space<vmem>>, vector<16384x64xf32>
    tpu.vector_store %arg5[%swap3A, %swap3A_20], %bitcast3A {strides = array<i32>} : memref<16384x128xf32, #tpu.memory_space<vmem>>, vector<16384x64xf32>,
    %swap3A_22 = arith.constant 0 : index
    %swap3A_23 = arith.constant 64 : index
    %swap3A_24 = vector.load %arg5[%swap3A_22, %swap3A_23] : memref<16384x128xf32, #tpu.memory_space<vmem>>, vector<16384x32xf32>
    tpu.vector_store %arg5[%swap3A_22, %swap3A_23], %bitcast3A_19 {strides = array<i32>} : memref<16384x128xf32, #tpu.memory_space<vmem>>, vector<16384x32xf32>,
    %broadcast_in_dim3A = arith.constant 0.000000e+00 : f32
    %broadcast_in_dim3A_25 = vector.broadcast %broadcast_in_dim3A : f32 to vector<16384x32xf32>
    %swap3A_26 = arith.constant 0 : index
    %swap3A_27 = arith.constant 96 : index
    %swap3A_28 = vector.load %arg5[%swap3A_26, %swap3A_27] : memref<16384x128xf32, #tpu.memory_space<vmem>>, vector<16384x32xf32>
    tpu.vector_store %arg5[%swap3A_26, %swap3A_27], %broadcast_in_dim3A_25 {strides = array<i32>} : memref<16384x128xf32, #tpu.memory_space<vmem>>, vector<16384x32xf32>,
    return
  }
  func.func @transform_0(%arg0: i32) -> (i32, i32) {
    %c0_i32 = arith.constant 0 : i32
    %c0_i32_0 = arith.constant 0 : i32
    return %c0_i32, %arg0 : i32, i32
  }
  func.func @transform_1(%arg0: i32) -> (i32, i32) {
    %c0_i32 = arith.constant 0 : i32
    %c0_i32_0 = arith.constant 0 : i32
    return %c0_i32, %arg0 : i32, i32
  }
  func.func @transform_2(%arg0: i32) -> (i32, i32) {
    %c0_i32 = arith.constant 0 : i32
    %c0_i32_0 = arith.constant 0 : i32
    %c0_i32_1 = arith.constant 0 : i32
    return %c0_i32, %c0_i32_0 : i32, i32
  }
  func.func @transform_3(%arg0: i32) -> (i32, i32) {
    %c0_i32 = arith.constant 0 : i32
    %c0_i32_0 = arith.constant 0 : i32
    %c0_i32_1 = arith.constant 0 : i32
    return %c0_i32, %c0_i32_0 : i32, i32
  }
  func.func @transform_4(%arg0: i32) -> (i32, i32) {
    %c0_i32 = arith.constant 0 : i32
    %c0_i32_0 = arith.constant 0 : i32
    return %arg0, %c0_i32 : i32, i32
  }
}

module attributes {stable_mosaic.version = 14 : i64} {
  func.func @_pack_body(%arg0: i32, %arg1: memref<64x32768xf32, #tpu.memory_space<vmem>>, %arg2: memref<32x32768xf32, #tpu.memory_space<vmem>>, %arg3: memref<64x64xf32, #tpu.memory_space<vmem>>, %arg4: memref<32x32xf32, #tpu.memory_space<vmem>>, %arg5: memref<16384x128xf32, #tpu.memory_space<vmem>>) attributes {dimension_semantics = [#tpu.dimension_semantics<arbitrary>], iteration_bounds = array<i64: 4>, scalar_prefetch = 0 : i64, scratch_operands = 0 : i64, tpu.core_type = #tpu.core_type<tc>, window_params = [{transform_indices = @transform_0, window_bounds = array<i64: 64, 32768>}, {transform_indices = @transform_1, window_bounds = array<i64: 32, 32768>}, {pipeline_mode = #tpu.pipeline_mode<synchronous>, transform_indices = @transform_2, window_bounds = array<i64: 64, 64>}, {pipeline_mode = #tpu.pipeline_mode<synchronous>, transform_indices = @transform_3, window_bounds = array<i64: 32, 32>}, {transform_indices = @transform_4, window_bounds = array<i64: 16384, 128>}]} {
    %get3A = arith.constant 0 : index
    %get3A_0 = arith.constant 0 : index
    %get3A_1 = vector.load %arg1[%get3A, %get3A_0] : memref<64x32768xf32, #tpu.memory_space<vmem>>, vector<64x32768xf32>
    %convert_element_type3A = arith.truncf %get3A_1 : vector<64x32768xf32> to vector<64x32768xbf16>
    %get3A_2 = arith.constant 0 : index
    %get3A_3 = arith.constant 0 : index
    %get3A_4 = vector.load %arg3[%get3A_2, %get3A_3] : memref<64x64xf32, #tpu.memory_space<vmem>>, vector<64x64xf32>
    %convert_element_type3A_5 = arith.truncf %get3A_4 : vector<64x64xf32> to vector<64x64xbf16>
    %dot_general3A = arith.constant dense<0.000000e+00> : vector<32768x64xf32>
    %dot_general3A_6 = tpu.matmul %convert_element_type3A, %convert_element_type3A_5, %dot_general3A {dimension_numbers = #tpu.dot_dimension_numbers<[0], [0], [1], [1], [0, 1, 1, 1], [], []>, transpose_lhs_hint = true} : vector<64x32768xbf16>, vector<64x64xbf16>, vector<32768x64xf32> -> vector<32768x64xf32>
    %get3A_7 = arith.constant 0 : index
    %get3A_8 = arith.constant 0 : index
    %get3A_9 = vector.load %arg2[%get3A_7, %get3A_8] : memref<32x32768xf32, #tpu.memory_space<vmem>>, vector<32x32768xf32>
    %convert_element_type3A_10 = arith.truncf %get3A_9 : vector<32x32768xf32> to vector<32x32768xbf16>
    %get3A_11 = arith.constant 0 : index
    %get3A_12 = arith.constant 0 : index
    %get3A_13 = vector.load %arg4[%get3A_11, %get3A_12] : memref<32x32xf32, #tpu.memory_space<vmem>>, vector<32x32xf32>
    %convert_element_type3A_14 = arith.truncf %get3A_13 : vector<32x32xf32> to vector<32x32xbf16>
    %dot_general3A_15 = arith.constant dense<0.000000e+00> : vector<32768x32xf32>
    %dot_general3A_16 = tpu.matmul %convert_element_type3A_10, %convert_element_type3A_14, %dot_general3A_15 {dimension_numbers = #tpu.dot_dimension_numbers<[0], [0], [1], [1], [0, 1, 1, 1], [], []>, transpose_lhs_hint = true} : vector<32x32768xbf16>, vector<32x32xbf16>, vector<32768x32xf32> -> vector<32768x32xf32>
    %convert_element_type3A_17 = arith.truncf %dot_general3A_6 : vector<32768x64xf32> to vector<32768x64xbf16>
    %bitcast3A = tpu.bitcast %convert_element_type3A_17 : vector<32768x64xbf16> -> vector<16384x64xf32>
    %convert_element_type3A_18 = arith.truncf %dot_general3A_16 : vector<32768x32xf32> to vector<32768x32xbf16>
    %bitcast3A_19 = tpu.bitcast %convert_element_type3A_18 : vector<32768x32xbf16> -> vector<16384x32xf32>
    %swap3A = arith.constant 0 : index
    %swap3A_20 = arith.constant 0 : index
    %swap3A_21 = vector.load %arg5[%swap3A, %swap3A_20] : memref<16384x128xf32, #tpu.memory_space<vmem>>, vector<16384x64xf32>
    tpu.vector_store %arg5[%swap3A, %swap3A_20], %bitcast3A {strides = array<i32>} : memref<16384x128xf32, #tpu.memory_space<vmem>>, vector<16384x64xf32>,
    %swap3A_22 = arith.constant 0 : index
    %swap3A_23 = arith.constant 64 : index
    %swap3A_24 = vector.load %arg5[%swap3A_22, %swap3A_23] : memref<16384x128xf32, #tpu.memory_space<vmem>>, vector<16384x32xf32>
    tpu.vector_store %arg5[%swap3A_22, %swap3A_23], %bitcast3A_19 {strides = array<i32>} : memref<16384x128xf32, #tpu.memory_space<vmem>>, vector<16384x32xf32>,
    %broadcast_in_dim3A = arith.constant 0.000000e+00 : f32
    %broadcast_in_dim3A_25 = vector.broadcast %broadcast_in_dim3A : f32 to vector<16384x32xf32>
    %swap3A_26 = arith.constant 0 : index
    %swap3A_27 = arith.constant 96 : index
    %swap3A_28 = vector.load %arg5[%swap3A_26, %swap3A_27] : memref<16384x128xf32, #tpu.memory_space<vmem>>, vector<16384x32xf32>
    tpu.vector_store %arg5[%swap3A_26, %swap3A_27], %broadcast_in_dim3A_25 {strides = array<i32>} : memref<16384x128xf32, #tpu.memory_space<vmem>>, vector<16384x32xf32>,
    return
  }
  func.func @transform_0(%arg0: i32) -> (i32, i32) {
    %c0_i32 = arith.constant 0 : i32
    %c0_i32_0 = arith.constant 0 : i32
    return %c0_i32, %arg0 : i32, i32
  }
  func.func @transform_1(%arg0: i32) -> (i32, i32) {
    %c0_i32 = arith.constant 0 : i32
    %c0_i32_0 = arith.constant 0 : i32
    return %c0_i32, %arg0 : i32, i32
  }
  func.func @transform_2(%arg0: i32) -> (i32, i32) {
    %c0_i32 = arith.constant 0 : i32
    %c0_i32_0 = arith.constant 0 : i32
    %c0_i32_1 = arith.constant 0 : i32
    return %c0_i32, %c0_i32_0 : i32, i32
  }
  func.func @transform_3(%arg0: i32) -> (i32, i32) {
    %c0_i32 = arith.constant 0 : i32
    %c0_i32_0 = arith.constant 0 : i32
    %c0_i32_1 = arith.constant 0 : i32
    return %c0_i32, %c0_i32_0 : i32, i32
  }
  func.func @transform_4(%arg0: i32) -> (i32, i32) {
    %c0_i32 = arith.constant 0 : i32
    %c0_i32_0 = arith.constant 0 : i32
    return %arg0, %c0_i32 : i32, i32
  }
}

module attributes {stable_mosaic.version = 14 : i64} {
  func.func @_tc_body(%arg0: i32, %arg1: memref<2048x128xf32, #tpu.memory_space<vmem>>, %arg2: memref<2048x128xf32, #tpu.memory_space<vmem>>, %arg3: memref<2048x1xi32, #tpu.memory_space<vmem>>, %arg4: memref<2048x1xi32, #tpu.memory_space<vmem>>, %arg5: memref<128x64xf32, #tpu.memory_space<vmem>>, %arg6: memref<1x64xf32, #tpu.memory_space<vmem>>, %arg7: memref<64x32xf32, #tpu.memory_space<vmem>>, %arg8: memref<1x32xf32, #tpu.memory_space<vmem>>, %arg9: memref<32x16xf32, #tpu.memory_space<vmem>>, %arg10: memref<1x16xf32, #tpu.memory_space<vmem>>, %arg11: memref<1x16xf32, #tpu.memory_space<vmem>>, %arg12: memref<1x32xf32, #tpu.memory_space<vmem>>, %arg13: memref<1x1xf32, #tpu.memory_space<vmem>>, %arg14: memref<2048x1xf32, #tpu.memory_space<vmem>>) attributes {dimension_semantics = [#tpu.dimension_semantics<arbitrary>], iteration_bounds = array<i64: 8>, scalar_prefetch = 0 : i64, scratch_operands = 0 : i64, tpu.core_type = #tpu.core_type<tc>, window_params = [{transform_indices = @transform_0, window_bounds = array<i64: 2048, 128>}, {transform_indices = @transform_1, window_bounds = array<i64: 2048, 128>}, {transform_indices = @transform_2, window_bounds = array<i64: 2048, 1>}, {transform_indices = @transform_3, window_bounds = array<i64: 2048, 1>}, {pipeline_mode = #tpu.pipeline_mode<synchronous>, transform_indices = @transform_4, window_bounds = array<i64: 128, 64>}, {pipeline_mode = #tpu.pipeline_mode<synchronous>, transform_indices = @transform_5, window_bounds = array<i64: 1, 64>}, {pipeline_mode = #tpu.pipeline_mode<synchronous>, transform_indices = @transform_6, window_bounds = array<i64: 64, 32>}, {pipeline_mode = #tpu.pipeline_mode<synchronous>, transform_indices = @transform_7, window_bounds = array<i64: 1, 32>}, {pipeline_mode = #tpu.pipeline_mode<synchronous>, transform_indices = @transform_8, window_bounds = array<i64: 32, 16>}, {pipeline_mode = #tpu.pipeline_mode<synchronous>, transform_indices = @transform_9, window_bounds = array<i64: 1, 16>}, {pipeline_mode = #tpu.pipeline_mode<synchronous>, transform_indices = @transform_10, window_bounds = array<i64: 1, 16>}, {pipeline_mode = #tpu.pipeline_mode<synchronous>, transform_indices = @transform_11, window_bounds = array<i64: 1, 32>}, {pipeline_mode = #tpu.pipeline_mode<synchronous>, transform_indices = @transform_12, window_bounds = array<i64: 1, 1>}, {transform_indices = @transform_13, window_bounds = array<i64: 2048, 1>}]} {
    %get3A = arith.constant 0 : index
    %get3A_0 = arith.constant 0 : index
    %get3A_1 = vector.load %arg1[%get3A, %get3A_0] : memref<2048x128xf32, #tpu.memory_space<vmem>>, vector<2048x128xf32>
    %get3A_2 = arith.constant 0 : index
    %get3A_3 = arith.constant 0 : index
    %get3A_4 = vector.load %arg3[%get3A_2, %get3A_3] : memref<2048x1xi32, #tpu.memory_space<vmem>>, vector<2048x1xi32>
    %and3A = arith.constant 1 : i32
    %and3A_5 = vector.broadcast %and3A : i32 to vector<2048x1xi32>
    %and3A_6 = arith.andi %get3A_4, %and3A_5 : vector<2048x1xi32>
    %eq3A = arith.constant 1 : i32
    %eq3A_7 = vector.broadcast %eq3A : i32 to vector<2048x1xi32>
    %eq3A_8 = arith.cmpi eq, %and3A_6, %eq3A_7 : vector<2048x1xi32>
    %slice3A = vector.extract_strided_slice %get3A_1 {offsets = [0, 0], sizes = [2048, 64], strides = [1, 1]} : vector<2048x128xf32> to vector<2048x64xf32>
    %bitcast3A = tpu.bitcast %slice3A : vector<2048x64xf32> -> vector<2048x64xi32>
    %shift_left3A = arith.constant 16 : i32
    %shift_left3A_9 = vector.broadcast %shift_left3A : i32 to vector<2048x64xi32>
    %shift_left3A_10 = arith.shli %bitcast3A, %shift_left3A_9 : vector<2048x64xi32>
    %bitcast3A_11 = tpu.bitcast %shift_left3A_10 : vector<2048x64xi32> -> vector<2048x64xf32>
    %and3A_12 = arith.constant -65536 : i32
    %and3A_13 = vector.broadcast %and3A_12 : i32 to vector<2048x64xi32>
    %and3A_14 = arith.andi %bitcast3A, %and3A_13 : vector<2048x64xi32>
    %bitcast3A_15 = tpu.bitcast %and3A_14 : vector<2048x64xi32> -> vector<2048x64xf32>
    %broadcast_in_dim3A = vector.shape_cast %eq3A_8 : vector<2048x1xi1> to vector<2048x1xi1>
    %broadcast_in_dim3A_16 = vector.broadcast %broadcast_in_dim3A : vector<2048x1xi1> to vector<2048x64xi1>
    %select_n3A = arith.select %broadcast_in_dim3A_16, %bitcast3A_15, %bitcast3A_11 : vector<2048x64xi1>, vector<2048x64xf32>
    %slice3A_17 = vector.extract_strided_slice %get3A_1 {offsets = [0, 64], sizes = [2048, 32], strides = [1, 1]} : vector<2048x128xf32> to vector<2048x32xf32>
    %bitcast3A_18 = tpu.bitcast %slice3A_17 : vector<2048x32xf32> -> vector<2048x32xi32>
    %shift_left3A_19 = arith.constant 16 : i32
    %shift_left3A_20 = vector.broadcast %shift_left3A_19 : i32 to vector<2048x32xi32>
    %shift_left3A_21 = arith.shli %bitcast3A_18, %shift_left3A_20 : vector<2048x32xi32>
    %bitcast3A_22 = tpu.bitcast %shift_left3A_21 : vector<2048x32xi32> -> vector<2048x32xf32>
    %and3A_23 = arith.constant -65536 : i32
    %and3A_24 = vector.broadcast %and3A_23 : i32 to vector<2048x32xi32>
    %and3A_25 = arith.andi %bitcast3A_18, %and3A_24 : vector<2048x32xi32>
    %bitcast3A_26 = tpu.bitcast %and3A_25 : vector<2048x32xi32> -> vector<2048x32xf32>
    %broadcast_in_dim3A_27 = vector.shape_cast %eq3A_8 : vector<2048x1xi1> to vector<2048x1xi1>
    %broadcast_in_dim3A_28 = vector.broadcast %broadcast_in_dim3A_27 : vector<2048x1xi1> to vector<2048x32xi1>
    %select_n3A_29 = arith.select %broadcast_in_dim3A_28, %bitcast3A_26, %bitcast3A_22 : vector<2048x32xi1>, vector<2048x32xf32>
    %get3A_30 = arith.constant 0 : index
    %get3A_31 = arith.constant 0 : index
    %get3A_32 = vector.load %arg2[%get3A_30, %get3A_31] : memref<2048x128xf32, #tpu.memory_space<vmem>>, vector<2048x128xf32>
    %get3A_33 = arith.constant 0 : index
    %get3A_34 = arith.constant 0 : index
    %get3A_35 = vector.load %arg4[%get3A_33, %get3A_34] : memref<2048x1xi32, #tpu.memory_space<vmem>>, vector<2048x1xi32>
    %and3A_36 = arith.constant 1 : i32
    %and3A_37 = vector.broadcast %and3A_36 : i32 to vector<2048x1xi32>
    %and3A_38 = arith.andi %get3A_35, %and3A_37 : vector<2048x1xi32>
    %eq3A_39 = arith.constant 1 : i32
    %eq3A_40 = vector.broadcast %eq3A_39 : i32 to vector<2048x1xi32>
    %eq3A_41 = arith.cmpi eq, %and3A_38, %eq3A_40 : vector<2048x1xi32>
    %slice3A_42 = vector.extract_strided_slice %get3A_32 {offsets = [0, 0], sizes = [2048, 64], strides = [1, 1]} : vector<2048x128xf32> to vector<2048x64xf32>
    %bitcast3A_43 = tpu.bitcast %slice3A_42 : vector<2048x64xf32> -> vector<2048x64xi32>
    %shift_left3A_44 = arith.constant 16 : i32
    %shift_left3A_45 = vector.broadcast %shift_left3A_44 : i32 to vector<2048x64xi32>
    %shift_left3A_46 = arith.shli %bitcast3A_43, %shift_left3A_45 : vector<2048x64xi32>
    %bitcast3A_47 = tpu.bitcast %shift_left3A_46 : vector<2048x64xi32> -> vector<2048x64xf32>
    %and3A_48 = arith.constant -65536 : i32
    %and3A_49 = vector.broadcast %and3A_48 : i32 to vector<2048x64xi32>
    %and3A_50 = arith.andi %bitcast3A_43, %and3A_49 : vector<2048x64xi32>
    %bitcast3A_51 = tpu.bitcast %and3A_50 : vector<2048x64xi32> -> vector<2048x64xf32>
    %broadcast_in_dim3A_52 = vector.shape_cast %eq3A_41 : vector<2048x1xi1> to vector<2048x1xi1>
    %broadcast_in_dim3A_53 = vector.broadcast %broadcast_in_dim3A_52 : vector<2048x1xi1> to vector<2048x64xi1>
    %select_n3A_54 = arith.select %broadcast_in_dim3A_53, %bitcast3A_51, %bitcast3A_47 : vector<2048x64xi1>, vector<2048x64xf32>
    %slice3A_55 = vector.extract_strided_slice %get3A_32 {offsets = [0, 64], sizes = [2048, 32], strides = [1, 1]} : vector<2048x128xf32> to vector<2048x32xf32>
    %bitcast3A_56 = tpu.bitcast %slice3A_55 : vector<2048x32xf32> -> vector<2048x32xi32>
    %shift_left3A_57 = arith.constant 16 : i32
    %shift_left3A_58 = vector.broadcast %shift_left3A_57 : i32 to vector<2048x32xi32>
    %shift_left3A_59 = arith.shli %bitcast3A_56, %shift_left3A_58 : vector<2048x32xi32>
    %bitcast3A_60 = tpu.bitcast %shift_left3A_59 : vector<2048x32xi32> -> vector<2048x32xf32>
    %and3A_61 = arith.constant -65536 : i32
    %and3A_62 = vector.broadcast %and3A_61 : i32 to vector<2048x32xi32>
    %and3A_63 = arith.andi %bitcast3A_56, %and3A_62 : vector<2048x32xi32>
    %bitcast3A_64 = tpu.bitcast %and3A_63 : vector<2048x32xi32> -> vector<2048x32xf32>
    %broadcast_in_dim3A_65 = vector.shape_cast %eq3A_41 : vector<2048x1xi1> to vector<2048x1xi1>
    %broadcast_in_dim3A_66 = vector.broadcast %broadcast_in_dim3A_65 : vector<2048x1xi1> to vector<2048x32xi1>
    %select_n3A_67 = arith.select %broadcast_in_dim3A_66, %bitcast3A_64, %bitcast3A_60 : vector<2048x32xi1>, vector<2048x32xf32>
    %get3A_68 = arith.constant 0 : index
    %get3A_69 = arith.constant 0 : index
    %get3A_70 = vector.load %arg5[%get3A_68, %get3A_69] : memref<128x64xf32, #tpu.memory_space<vmem>>, vector<64x64xf32>
    %dot_general3A = arith.constant dense<0.000000e+00> : vector<2048x64xf32>
    %dot_general3A_71 = tpu.matmul %select_n3A, %get3A_70, %dot_general3A {dimension_numbers = #tpu.dot_dimension_numbers<[1], [0], [0], [1], [0, 0, 1, 1], [], []>, transpose_lhs_hint = false} : vector<2048x64xf32>, vector<64x64xf32>, vector<2048x64xf32> -> vector<2048x64xf32>
    %get3A_72 = arith.constant 64 : index
    %get3A_73 = arith.constant 0 : index
    %get3A_74 = vector.load %arg5[%get3A_72, %get3A_73] : memref<128x64xf32, #tpu.memory_space<vmem>>, vector<64x64xf32>
    %dot_general3A_75 = arith.constant dense<0.000000e+00> : vector<2048x64xf32>
    %dot_general3A_76 = tpu.matmul %select_n3A_54, %get3A_74, %dot_general3A_75 {dimension_numbers = #tpu.dot_dimension_numbers<[1], [0], [0], [1], [0, 0, 1, 1], [], []>, transpose_lhs_hint = false} : vector<2048x64xf32>, vector<64x64xf32>, vector<2048x64xf32> -> vector<2048x64xf32>
    %add3A = arith.addf %dot_general3A_71, %dot_general3A_76 : vector<2048x64xf32>
    %get3A_77 = arith.constant 0 : index
    %get3A_78 = arith.constant 0 : index
    %get3A_79 = vector.load %arg6[%get3A_77, %get3A_78] : memref<1x64xf32, #tpu.memory_space<vmem>>, vector<1x64xf32>
    %add3A_80 = vector.broadcast %get3A_79 : vector<1x64xf32> to vector<2048x64xf32>
    %add3A_81 = arith.addf %add3A, %add3A_80 : vector<2048x64xf32>
    %max3A = arith.constant 0.000000e+00 : f32
    %max3A_82 = vector.broadcast %max3A : f32 to vector<2048x64xf32>
    %max3A_83 = arith.maximumf %add3A_81, %max3A_82 : vector<2048x64xf32>
    %get3A_84 = arith.constant 0 : index
    %get3A_85 = arith.constant 0 : index
    %get3A_86 = vector.load %arg7[%get3A_84, %get3A_85] : memref<64x32xf32, #tpu.memory_space<vmem>>, vector<64x32xf32>
    %dot_general3A_87 = arith.constant dense<0.000000e+00> : vector<2048x32xf32>
    %dot_general3A_88 = tpu.matmul %max3A_83, %get3A_86, %dot_general3A_87 {dimension_numbers = #tpu.dot_dimension_numbers<[1], [0], [0], [1], [0, 0, 1, 1], [], []>, transpose_lhs_hint = false} : vector<2048x64xf32>, vector<64x32xf32>, vector<2048x32xf32> -> vector<2048x32xf32>
    %get3A_89 = arith.constant 0 : index
    %get3A_90 = arith.constant 0 : index
    %get3A_91 = vector.load %arg8[%get3A_89, %get3A_90] : memref<1x32xf32, #tpu.memory_space<vmem>>, vector<1x32xf32>
    %add3A_92 = vector.broadcast %get3A_91 : vector<1x32xf32> to vector<2048x32xf32>
    %add3A_93 = arith.addf %dot_general3A_88, %add3A_92 : vector<2048x32xf32>
    %max3A_94 = arith.constant 0.000000e+00 : f32
    %max3A_95 = vector.broadcast %max3A_94 : f32 to vector<2048x32xf32>
    %max3A_96 = arith.maximumf %add3A_93, %max3A_95 : vector<2048x32xf32>
    %get3A_97 = arith.constant 0 : index
    %get3A_98 = arith.constant 0 : index
    %get3A_99 = vector.load %arg9[%get3A_97, %get3A_98] : memref<32x16xf32, #tpu.memory_space<vmem>>, vector<32x16xf32>
    %dot_general3A_100 = arith.constant dense<0.000000e+00> : vector<2048x16xf32>
    %dot_general3A_101 = tpu.matmul %max3A_96, %get3A_99, %dot_general3A_100 {dimension_numbers = #tpu.dot_dimension_numbers<[1], [0], [0], [1], [0, 0, 1, 1], [], []>, transpose_lhs_hint = false} : vector<2048x32xf32>, vector<32x16xf32>, vector<2048x16xf32> -> vector<2048x16xf32>
    %get3A_102 = arith.constant 0 : index
    %get3A_103 = arith.constant 0 : index
    %get3A_104 = vector.load %arg10[%get3A_102, %get3A_103] : memref<1x16xf32, #tpu.memory_space<vmem>>, vector<1x16xf32>
    %add3A_105 = vector.broadcast %get3A_104 : vector<1x16xf32> to vector<2048x16xf32>
    %add3A_106 = arith.addf %dot_general3A_101, %add3A_105 : vector<2048x16xf32>
    %max3A_107 = arith.constant 0.000000e+00 : f32
    %max3A_108 = vector.broadcast %max3A_107 : f32 to vector<2048x16xf32>
    %max3A_109 = arith.maximumf %add3A_106, %max3A_108 : vector<2048x16xf32>
    %mul3A = arith.mulf %select_n3A_29, %select_n3A_67 : vector<2048x32xf32>
    %get3A_110 = arith.constant 0 : index
    %get3A_111 = arith.constant 0 : index
    %get3A_112 = vector.load %arg11[%get3A_110, %get3A_111] : memref<1x16xf32, #tpu.memory_space<vmem>>, vector<1x16xf32>
    %mul3A_113 = vector.broadcast %get3A_112 : vector<1x16xf32> to vector<2048x16xf32>
    %mul3A_114 = arith.mulf %max3A_109, %mul3A_113 : vector<2048x16xf32>
    %reduce_sum3A = arith.constant dense<0.000000e+00> : vector<2048xf32>
    %reduce_sum3A_115 = vector.multi_reduction <add>, %mul3A_114, %reduce_sum3A [1] : vector<2048x16xf32> to vector<2048xf32>
    %get3A_116 = arith.constant 0 : index
    %get3A_117 = arith.constant 0 : index
    %get3A_118 = vector.load %arg12[%get3A_116, %get3A_117] : memref<1x32xf32, #tpu.memory_space<vmem>>, vector<1x32xf32>
    %mul3A_119 = vector.broadcast %get3A_118 : vector<1x32xf32> to vector<2048x32xf32>
    %mul3A_120 = arith.mulf %mul3A, %mul3A_119 : vector<2048x32xf32>
    %reduce_sum3A_121 = arith.constant dense<0.000000e+00> : vector<2048xf32>
    %reduce_sum3A_122 = vector.multi_reduction <add>, %mul3A_120, %reduce_sum3A_121 [1] : vector<2048x32xf32> to vector<2048xf32>
    %add3A_123 = arith.addf %reduce_sum3A_115, %reduce_sum3A_122 : vector<2048xf32>
    %get3A_124 = arith.constant 0 : index
    %get3A_125 = arith.constant 0 : index
    %get3A_126 = vector.load %arg13[%get3A_124, %get3A_125] : memref<1x1xf32, #tpu.memory_space<vmem>>, vector<1x1xf32>
    %get3A_127 = vector.extract %get3A_126[0, 0] : f32 from vector<1x1xf32>
    %add3A_128 = vector.broadcast %get3A_127 : f32 to vector<2048xf32>
    %add3A_129 = arith.addf %add3A_123, %add3A_128 : vector<2048xf32>
    %broadcast_in_dim3A_130 = vector.shape_cast %add3A_129 : vector<2048xf32> to vector<2048x1xf32>
    %swap3A = arith.constant 0 : index
    %swap3A_131 = arith.constant 0 : index
    %swap3A_132 = vector.load %arg14[%swap3A, %swap3A_131] : memref<2048x1xf32, #tpu.memory_space<vmem>>, vector<2048x1xf32>
    tpu.vector_store %arg14[%swap3A, %swap3A_131], %broadcast_in_dim3A_130 {strides = array<i32>} : memref<2048x1xf32, #tpu.memory_space<vmem>>, vector<2048x1xf32>,
    return
  }
  func.func @transform_0(%arg0: i32) -> (i32, i32) {
    %c0_i32 = arith.constant 0 : i32
    %c0_i32_0 = arith.constant 0 : i32
    return %arg0, %c0_i32 : i32, i32
  }
  func.func @transform_1(%arg0: i32) -> (i32, i32) {
    %c0_i32 = arith.constant 0 : i32
    %c0_i32_0 = arith.constant 0 : i32
    return %arg0, %c0_i32 : i32, i32
  }
  func.func @transform_2(%arg0: i32) -> (i32, i32) {
    %c0_i32 = arith.constant 0 : i32
    %c0_i32_0 = arith.constant 0 : i32
    return %arg0, %c0_i32 : i32, i32
  }
  func.func @transform_3(%arg0: i32) -> (i32, i32) {
    %c0_i32 = arith.constant 0 : i32
    %c0_i32_0 = arith.constant 0 : i32
    return %arg0, %c0_i32 : i32, i32
  }
  func.func @transform_4(%arg0: i32) -> (i32, i32) {
    %c0_i32 = arith.constant 0 : i32
    %c0_i32_0 = arith.constant 0 : i32
    %c0_i32_1 = arith.constant 0 : i32
    return %c0_i32, %c0_i32_0 : i32, i32
  }
  func.func @transform_5(%arg0: i32) -> (i32, i32) {
    %c0_i32 = arith.constant 0 : i32
    %c0_i32_0 = arith.constant 0 : i32
    %c0_i32_1 = arith.constant 0 : i32
    return %c0_i32, %c0_i32_0 : i32, i32
  }
  func.func @transform_6(%arg0: i32) -> (i32, i32) {
    %c0_i32 = arith.constant 0 : i32
    %c0_i32_0 = arith.constant 0 : i32
    %c0_i32_1 = arith.constant 0 : i32
    return %c0_i32, %c0_i32_0 : i32, i32
  }
  func.func @transform_7(%arg0: i32) -> (i32, i32) {
    %c0_i32 = arith.constant 0 : i32
    %c0_i32_0 = arith.constant 0 : i32
    %c0_i32_1 = arith.constant 0 : i32
    return %c0_i32, %c0_i32_0 : i32, i32
  }
  func.func @transform_8(%arg0: i32) -> (i32, i32) {
    %c0_i32 = arith.constant 0 : i32
    %c0_i32_0 = arith.constant 0 : i32
    %c0_i32_1 = arith.constant 0 : i32
    return %c0_i32, %c0_i32_0 : i32, i32
  }
  func.func @transform_9(%arg0: i32) -> (i32, i32) {
    %c0_i32 = arith.constant 0 : i32
    %c0_i32_0 = arith.constant 0 : i32
    %c0_i32_1 = arith.constant 0 : i32
    return %c0_i32, %c0_i32_0 : i32, i32
  }
  func.func @transform_10(%arg0: i32) -> (i32, i32) {
    %c0_i32 = arith.constant 0 : i32
    %c0_i32_0 = arith.constant 0 : i32
    %c0_i32_1 = arith.constant 0 : i32
    return %c0_i32, %c0_i32_0 : i32, i32
  }
  func.func @transform_11(%arg0: i32) -> (i32, i32) {
    %c0_i32 = arith.constant 0 : i32
    %c0_i32_0 = arith.constant 0 : i32
    %c0_i32_1 = arith.constant 0 : i32
    return %c0_i32, %c0_i32_0 : i32, i32
  }
  func.func @transform_12(%arg0: i32) -> (i32, i32) {
    %c0_i32 = arith.constant 0 : i32
    %c0_i32_0 = arith.constant 0 : i32
    %c0_i32_1 = arith.constant 0 : i32
    return %c0_i32, %c0_i32_0 : i32, i32
  }
  func.func @transform_13(%arg0: i32) -> (i32, i32) {
    %c0_i32 = arith.constant 0 : i32
    %c0_i32_0 = arith.constant 0 : i32
    return %arg0, %c0_i32 : i32, i32
  }
}

</mosaic_0001>

<sc_bundles>
// kernel: kernel.10.cloned.1.call-start
scs
__scs_entry_jumppad:
0x0: {  	(pc) =	sbr.rel $0x88, $3  }
0x1: {  	(tag) =	ssettag $0x0;
	lr =	simm.s32 $0x1  }
0x2: {  	[smem:$0x3F93] =	sst lr;
	_ =	strace $0xD0000000  }
0x3: {  	_ = 	snop  }
0x4: {  	_ = 	snop  }
0x5: {  	_ = 	snop  }
0x6: {  	_ = 	snop  }
0x7: {  	_ = 	snop  }
__scs_overlays_trampoline_lowered:
0x8: {  	[smem:$0x3FA2] =	sst s0  }
0x9: {  	[smem:$0x3FA3] =	sst s1  }
0xa: {  	[smem:$0x3FA4] =	sst s2  }
0xb: {  	[smem:$0x3FA5] =	sst s3  }
0xc: {  	[smem:$0x3FA6] =	sst s4  }
0xd: {  	[smem:$0x3FA7] =	sst s5  }
0xe: {  	[smem:$0x3FA8] =	sst s6  }
0xf: {  	[smem:$0x3FA9] =	sst s7  }
0x10: {  	[smem:$0x3FAA] =	sst s8  }
0x11: {  	[smem:$0x3FAB] =	sst s9;
	s0 =	simm.s32 @!p0 $0x0  }
0x12: {  	s1 =	sld [smem:$0x3F91];
	s0 =	simm.s32 @p0 $0x1  }
0x13: {  	[smem:$0x3FAC] =	sst s0;
	s0 =	simm.s32 @!p1 $0x0  }
0x14: {  	s2 =	sld [smem:$0x3F90];
	s0 =	simm.s32 @p1 $0x1  }
0x15: {  	[smem:$0x3FAD] =	sst s0;
	s0 =	simm.s32 @!p2 $0x0  }
0x16: {  	s3 =	sld [smem:$0x3FDB];
	s0 =	simm.s32 @p2 $0x1  }
0x17: {  	s4 =	simm.s32 $0x1BF5;
	[smem:$0x3FAF] =	sst s0  }
0x18: {  	s0 =	sld [smem:$0x3F92];
	_ =	swait.ge [sflag:s4], $0x0  }
0x19: {  	s7 =	sld [smem:$0x3F93]  }
0x1a: {  	s8 =	sadd.s32 $0xFFFFE003, lr  }
0x1b: {  	s9 =	sadd.s32 $0xFFFFFEF7, lr;
	s5 =	simm.s32 $0xFFFFFFFF;
	p2 =	slt.u32 s8, $0xFFFFF086  }
0x1c: {  	p1 =	slt.u32 s9, $0xF7A;
	s5 =	simm.s32 @!p2 $0x0  }
0x1d: {  	s5 =	simm.s32 @p1 $0x1;
	p0 =	seq.s32 s7, s2  }
0x1e: {  	s7 =	smul.u32 @!p0 $0xF7A, s2;
	p2 =	seq.s32 @!p0 s5, $0x0  }
0x1f: {  	s9 =	smul.u32 $0xF7A, s1;
	s8 =	simm.s32 @!p0 $0x1BF5;
	p2 =	por !p2, p0  }
0x20: {  	[sflag:s8] =	ssyncset.s32 @!p0 $0xFFFFF086;
	s6 =	sadd.s32 @!p0 s3, s7;
	s7 =	simm.s32 @!p0 $0x108  }
0x21: {  	s3 =	sadd.s32 s3, s9;
	s6 =	sadd.s32 @!p0 $0x88, s6;
	s7 =	simm.s32 @p2 $0x1082  }
0x22: {  	[simem:s7], [sflag:s8] =	dma.local @!p0 [hbm:s6], $0xF7A  }
0x23: {  	s9 =	sor.u32 $0xD0000000, s2;
	s6 =	simm.s32 $0x108;
	_ =	swait.ge @!p0 [sflag:s8], $0x0  }
0x24: {  	s3 =	sadd.s32 $0x88, s3;
	s6 =	simm.s32 @!p1 $0x1082;
	[sflag:s4] =	ssyncset.s32 $0xFFFFF086  }
0x25: {  	[simem:s6], [sflag:s4] =	dma.local [hbm:s3], $0xF7A  }
0x26: {  	[smem:$0x3F93] =	sst s1;
	(tag) =	ssettag s2;
	_ =	strace s9  }
0x27: {  	s1 =	sld [smem:$0x3FA3]  }
0x28: {  	s2 =	sld [smem:$0x3FA4]  }
0x29: {  	s4 =	sld [smem:$0x3FA6]  }
0x2a: {  	p0 =	seq.s32 s5, $0x0;
	s5 =	sld [smem:$0x3FA7]  }
0x2b: {  	s6 =	sld [smem:$0x3FA8]  }
0x2c: {  	s7 =	sld [smem:$0x3FA9]  }
0x2d: {  	s3 =	simm.s32 $0x108;
	s8 =	sld [smem:$0x3FAA]  }
0x2e: {  	s3 =	simm.s32 @!p0 $0x1082;
	s9 =	sld [smem:$0x3FAB]  }
0x2f: {  	lr =	sadd.s32 s0, s3;
	s0 =	sld [smem:$0x3FA2]  }
0x30: {  	s3 =	sld [smem:$0x3FA5]  }
0x31: {  	[smem:$0x3FAE] =	sst s10  }
0x32: {  	s10 =	sld [smem:$0x3FAC];
	_ =	sdelay $0x3  }
0x33: {  	p0 =	seq.s32 s10, $0x1;
	s10 =	sld [smem:$0x3FAE];
	_ =	sdelay $0x3  }
0x34: {  	[smem:$0x3FAE] =	sst s10  }
0x35: {  	s10 =	sld [smem:$0x3FAD];
	_ =	sdelay $0x3  }
0x36: {  	p1 =	seq.s32 s10, $0x1;
	s10 =	sld [smem:$0x3FAE];
	_ =	sdelay $0x3  }
0x37: {  	[smem:$0x3FAE] =	sst s10  }
0x38: {  	s10 =	sld [smem:$0x3FAF]  }
0x39: {  	_ = 	snop;
	(pc) =	sbr.ind lr, $3  }
0x3a: {  	_ = 	snop  }
0x3b: {  	_ = 	snop  }
0x3c: {  	p2 =	seq.s32 s10, $0x1;
	s10 =	sld [smem:$0x3FAE]  }
0x3d: {  	_ =	shalt  }
0x3e: {  	_ =	shalt  }
0x3f: {  	_ =	shalt  }
0x40: {  	_ =	shalt  }
0x41: {  	_ =	shalt  }
0x42: {  	_ =	shalt  }
0x43: {  	_ =	shalt  }
0x44: {  	_ =	shalt  }
0x45: {  	_ =	shalt  }
0x46: {  	_ =	shalt  }
0x47: {  	_ =	shalt  }
0x48: {  	_ =	shalt  }
0x49: {  	_ =	shalt  }
0x4a: {  	_ =	shalt  }
0x4b: {  	_ =	shalt  }
0x4c: {  	_ =	shalt  }
0x4d: {  	_ =	shalt  }
0x4e: {  	_ =	shalt  }
0x4f: {  	_ =	shalt  }
0x50: {  	_ =	shalt  }
0x51: {  	_ =	shalt  }
0x52: {  	_ =	shalt  }
0x53: {  	_ =	shalt  }
0x54: {  	_ =	shalt  }
0x55: {  	_ =	shalt  }
0x56: {  	_ =	shalt  }
0x57: {  	_ =	shalt  }
0x58: {  	_ =	shalt  }
0x59: {  	_ =	shalt  }
0x5a: {  	_ =	shalt  }
0x5b: {  	_ =	shalt  }
0x5c: {  	_ =	shalt  }
0x5d: {  	_ =	shalt  }
0x5e: {  	_ =	shalt  }
0x5f: {  	_ =	shalt  }
0x60: {  	_ =	shalt  }
0x61: {  	_ =	shalt  }
0x62: {  	_ =	shalt  }
0x63: {  	_ =	shalt  }
0x64: {  	_ =	shalt  }
0x65: {  	_ =	shalt  }
0x66: {  	_ =	shalt  }
0x67: {  	_ =	shalt  }
0x68: {  	_ =	shalt  }
0x69: {  	_ =	shalt  }
0x6a: {  	_ =	shalt  }
0x6b: {  	_ =	shalt  }
0x6c: {  	_ =	shalt  }
0x6d: {  	_ =	shalt  }
0x6e: {  	_ =	shalt  }
0x6f: {  	_ =	shalt  }
0x70: {  	_ =	shalt  }
0x71: {  	_ =	shalt  }
0x72: {  	_ =	shalt  }
0x73: {  	_ =	shalt  }
0x74: {  	_ =	shalt  }
0x75: {  	_ =	shalt  }
0x76: {  	_ =	shalt  }
0x77: {  	_ =	shalt  }
0x78: {  	_ =	shalt  }
0x79: {  	_ =	shalt  }
0x7a: {  	_ =	shalt  }
0x7b: {  	_ =	shalt  }
0x7c: {  	_ =	shalt  }
0x7d: {  	_ =	shalt  }
0x7e: {  	_ =	shalt  }
0x7f: {  	_ =	shalt  }
0x80: {  	_ =	shalt  }
0x81: {  	_ =	shalt  }
0x82: {  	_ =	shalt  }
0x83: {  	_ =	shalt  }
0x84: {  	_ =	shalt  }
0x85: {  	_ =	shalt  }
0x86: {  	_ =	shalt  }
0x87: {  	_ =	shalt  }
.Lfunc_end0:
.L_simem_size_0:
called_computation.1_lowered:
.L_overlay_start_0:
0x88: {  	s2 =	sld [smem:$0x3FD9]  }
0x89: {  	s3 =	sld [smem:$0x3FFE];
	_ =	sdelay $0x1  }
0x8a: {  	s1 =	srdreg.scid  }
0x8b: {  	s0 =	sand.u32 $0x1, s1  }
0x8c: {  	s17 =	sshll.u32 s0, $0xA;
	s2 =	sadd.s32 s3, s2  }
0x8d: {  	s2 =	sadd.s32 s2, s17  }
0x8e: {  	[smem:$0x3FBA] =	sst s2  }
0x8f: {  	_ = 	snop  }
0x90: {  	s2 =	sld [smem:$0x3FD0];
	(tm) =	ssettm $0x1  }
0x91: {  	s18 =	sld [smem:$0x3FFB];
	_ =	sdelay $0x3  }
0x92: {  	_ =	strace s18  }
0x93: {  	s3 =	sld [smem:$0x3FFC];
	_ =	sdelay $0x3  }
0x94: {  	_ =	strace s3  }
0x95: {  	s3 =	sld [smem:$0x3FFD];
	_ =	sdelay $0x3  }
0x96: {  	_ =	strace s3  }
0x97: {  	_ =	strace $0x8FFFFFFF  }
0x98: {  	s19 =	sld [smem:$0x3FDB];
	_ =	sdelay $0x1  }
0x99: {  	s4 =	simm.s32 $_scs_section_size  }
0x9a: {  	s5 =	simm.s32 $_size__tile_overlayer_lowered;
	s6 =	simm.s32 $_tile_overlayer_lowered  }
0x9b: {  	s22 =	simm.s32 $0x1BFF;
	s21 =	sshll.u32 s6, $0x1;
	s3 =	sadd.s32 s4, s19  }
0x9c: {  	s7 =	simm.s32 $0x0;
	s20 =	sshll.u32 s5, $0x1;
	s5 =	sadd.s32 s21, s3  }
0x9d: {  	[timem:s7], [sflag:s22] =	dma.local [hbm:s5], s20  }
0x9e: {  	_ =	swait.ge [sflag:s22], s20  }
0x9f: {  	s4 =	ssub.s32 $0x0, s20;
	[sflag:s22] =	ssyncset.done $0x0  }
0xa0: {  	[sflag:s22] =	ssyncadd.s32 s4;
	_ =	sdelay $0x1  }
0xa1: {  	s23 =	simm.s32 $0x1B8B  }
0xa2: {  	_ =	swait.ge [sflag:s23], $0x1  }
0xa3: {  	[sflag:s23] =	ssyncset.done $0x0  }
0xa4: {  	s25 =	simm.s32 $0x1B8E;
	s24 =	sld [smem:$0x3FFE];
	[sflag:s23] =	ssyncadd.s32 $0xFFFFFFFF  }
0xa5: {  	s26 =	simm.s32 $execute0_lowered;
	[smem:$0x3FD2] =	sst s25  }
0xa6: {  	s5 =	sshll.u32 s26, $0x1;
	_ =	strace $0x80000046;
	[dreg:$0x1] =	wrdreg $0xFFFFFFFF  }
0xa7: {  	s28 =	simm.s32 $_size_execute0_lowered;
	s3 =	sadd.s32 s3, s5;
	[dreg:$0x0] =	wrdreg $0x0  }
0xa8: {  	s5 =	sshll.u32 s28, $0x1;
	[dreg:$0x2] =	wrdreg s3  }
0xa9: {  	[dreg:$0x3] =	wrdreg s5  }
0xaa: {  	[dreg:$0x4] =	wrdreg $0xC0  }
0xab: {  	_ =	task [dreg:s7], $0x5FFFF  }
0xac: {  	[dreg:$0x1] =	wrdreg $0xFFFFFFFF  }
0xad: {  	[dreg:$0x0] =	wrdreg $0x60  }
0xae: {  	[dreg:$0x2] =	wrdreg s2  }
0xaf: {  	[dreg:$0x3] =	wrdreg s24  }
0xb0: {  	[dreg:$0x4] =	wrdreg $0xA  }
0xb1: {  	_ =	task.clear_ibuf [dreg:s7], $0x5FFFF;
	_ =	strace $0x90000046  }
0xb2: {  	s29 =	simm.s32 $0xA;
	_ =	strace $0x80000048  }
0xb3: {  	_ =	swait.ge [sflag:s29], $0x1  }
0xb4: {  	[sflag:s29] =	ssyncadd.s32 $0xFFFFFFFF  }
0xb5: {  	_ =	strace $0x90000048  }
0xb6: {  	_ =	sfence  }
0xb7: {  	s30 =	sld [smem:$0x0];
	_ =	sdelay $0x2  }
0xb8: {  	s31 =	sshll.u32 s1, $0xD;
	s1 =	sshrl.u32 s1, $0x2  }
0xb9: {  	s3 =	sand.u32 $0x4000, s31;
	s1 =	sadd.s32 s1, s30  }
0xba: {  	s0 =	sor.u32 s3, s0;
	s1 =	sshll.u32 s1, $0x11  }
0xbb: {  	s0 =	sor.u32 s1, s0  }
0xbc: {  	s0 =	sadd.s32 $0x8F2B, s0  }
0xbd: {  	[sflag:s0] =	ssyncadd.remote.s32 $0x1  }
0xbe: {  	_ =	sfence.sel $0xFFFF  }
0xbf: {  	[dreg:$0x0] =	wrdreg $0xFFFFFFFF;
	(pc) =	sbr.abs _section_cstart, $3  }
0xc0: {  	[dreg:$0x1] =	wrdreg $0xFFFFFFFF  }
0xc1: {  	_ =	task.clear_ibuf [dreg:s7], $0x2FFFF;
	_ =	strace $0x9FFFFFFF  }
0xc2: {  	(tm) =	ssettm $0x7FFFFFFF  }
0xc3: {  	_ =	shalt  }
tec
execute0_lowered:
.L_overlay_start_1:
0x0: {  	(tag) =	ssettag $0x1  }
0x1: {  	s3 =	rddreg [dreg:$0x0]  }
0x2: {  	s1 =	srdreg.scid;
	s0 =	stileid.u32  }
0x3: {  	s10 =	rddreg [dreg:$0x1];
	s15 =	sand.u32 $0x1, s1;
	s4 =	sshll.u32 s0, $0x1  }
0x4: {  	s2 =	simm.s32 $0x0;
	s1 =	rddreg [dreg:$0x2];
	s11 =	sor.u32 s15, s4  }
0x5: {  	[smem:$0x7FF] =	sst s2;
	s4 =	sshll.u32 s11, $0x6  }
0x6: {  	_ =	strace $0x80000047;
	s4 =	sadd.s32 s3, s4;
	s3 =	simm.s32 $0x2  }
0x7: {  	[tilespmem:s2], [sflag:$0x2] =	stream.linear.gather [hbm4b:s4+s2], $0x200, $0x38;
	[tilespmem:$0x8200] =	vst v63  }
0x8: {  	_ =	swait.ge [sflag:s3], $0x200  }
0x9: {  	s6 =	simm.s32 $0x80;
	[sflag:s3] =	ssyncset.done $0x0  }
0xa: {  	s7 =	simm.s32 $0x200;
	s5 =	sadd.s32 $0x1E00, s10;
	[sflag:s3] =	ssyncadd.s32 $0xFFFFFE00  }
0xb: {  	[tilespmem:s7], [sflag:$0x1] =	stream.indirect.gather [hbm4b:s5+s6], $0x80, s2, s6, $0xb8;
	[tilespmem:$0x8200] =	vst v63  }
0xc: {  	s8 =	simm.s32 $0x4200;
	s9 =	simm.s32 $0x1  }
0xd: {  	[tilespmem:s8], [sflag:$0x1] =	stream.indirect.gather [hbm4b:s5+s6], $0x80, s6, s6, $0xb8;
	[tilespmem:$0x8200] =	vst v63  }
0xe: {  	s11 =	sshll.u32 s11, $0xD;
	_ =	swait.ge [sflag:s9], $0x4000  }
0xf: {  	s16 =	sadd.s32 s11, s10;
	[sflag:s9] =	ssyncset.done $0x0  }
0x10: {  	s10 =	sadd.s32 $0x7C1E00, s16;
	[sflag:s9] =	ssyncadd.s32 $0xFFFFC000  }
0x11: {  	[hbm4b:s10+s2] =	stream.linear.scatter [tilespmem:s7], [sflag:$0x2], $0x4000, $0x38;
	[tilespmem:$0x8200] =	vst v63  }
0x12: {  	_ =	swait.ge [sflag:s3], $0x4000  }
0x13: {  	[sflag:s3] =	ssyncset.done $0x0  }
0x14: {  	s11 =	simm.s32 $0x100;
	[sflag:s3] =	ssyncadd.s32 $0xFFFFC000  }
0x15: {  	[tilespmem:s7], [sflag:$0x1] =	stream.indirect.gather [hbm4b:s5+s6], $0x80, s11, s6, $0xb8;
	[tilespmem:$0x8200] =	vst v63  }
0x16: {  	_ =	swait.ge [sflag:s9], $0x4000  }
0x17: {  	[sflag:s9] =	ssyncset.done $0x0  }
0x18: {  	s12 =	sadd.s32 $0x7C2600, s16;
	[sflag:s9] =	ssyncadd.s32 $0xFFFFC000  }
0x19: {  	[hbm4b:s12+s2] =	stream.linear.scatter [tilespmem:s8], [sflag:$0x2], $0x4000, $0x38;
	[tilespmem:$0x8200] =	vst v63  }
0x1a: {  	_ =	swait.ge [sflag:s3], $0x4000  }
0x1b: {  	[sflag:s3] =	ssyncset.done $0x0  }
0x1c: {  	s13 =	simm.s32 $0x180;
	[sflag:s3] =	ssyncadd.s32 $0xFFFFC000  }
0x1d: {  	[tilespmem:s8], [sflag:$0x1] =	stream.indirect.gather [hbm4b:s5+s6], $0x80, s13, s6, $0xb8;
	[tilespmem:$0x8200] =	vst v63  }
0x1e: {  	_ =	swait.ge [sflag:s9], $0x4000  }
0x1f: {  	[sflag:s9] =	ssyncset.done $0x0  }
0x20: {  	s15 =	ssub.s32 $0x2, s15;
	s14 =	sadd.s32 $0x7C2E00, s16;
	[sflag:s9] =	ssyncadd.s32 $0xFFFFC000  }
0x21: {  	[hbm4b:s14+s2] =	stream.linear.scatter [tilespmem:s7], [sflag:$0x2], $0x4000, $0x38;
	[tilespmem:$0x8200] =	vst v63  }
0x22: {  	s17 =	sshrl.u32 s15, $0x1;
	_ =	swait.ge [sflag:s3], $0x4000  }
0x23: {  	s17 =	ssub.s32 s15, s17;
	[sflag:s3] =	ssyncset.done $0x0  }
0x24: {  	s31 =	smax.u32 s17, $0x1;
	[sflag:s3] =	ssyncadd.s32 $0xFFFFC000  }
0x25: {  	p0 =	sne.s32 s31, $0x1;
	_ =	swait.ge [sflag:s9], $0x4000  }
.Ltmp0:
0x26: {  	[sflag:s9] =	ssyncset.done $0x0;
	(pc) =	sbr.rel @!p0 .LBB2_2-.Ltmp0, $4  }
0x27: {  	s15 =	sadd.s32 $0x7C3600, s16;
	[sflag:s9] =	ssyncadd.s32 $0xFFFFC000  }
0x28: {  	[hbm4b:s15+s2] =	stream.linear.scatter [tilespmem:s8], [sflag:$0x2], $0x4000, $0x38;
	[tilespmem:$0x8200] =	vst v63  }
0x29: {  	_ =	swait.ge [sflag:s3], $0x4000  }
0x2a: {  	s16 =	sadd.s32 $0xFFFFFFFF, s31;
	[sflag:s3] =	ssyncset.done $0x0  }
.LBB2_1:
0x2b: {  	p0 =	sne.s32 s16, $0x1;
	s16 =	sadd.s32 $0xFFFFFFFF, s16;
	[sflag:s3] =	ssyncadd.s32 $0xFFFFC000  }
0x2c: {  	[tilespmem:s2], [sflag:$0x2] =	stream.linear.gather [hbm4b:s4+s2], $0x200, $0x38;
	[tilespmem:$0x8200] =	vst v63  }
0x2d: {  	_ =	swait.ge [sflag:s3], $0x200  }
0x2e: {  	[sflag:s3] =	ssyncset.done $0x0  }
0x2f: {  	[sflag:s3] =	ssyncadd.s32 $0xFFFFFE00  }
0x30: {  	[tilespmem:s7], [sflag:$0x1] =	stream.indirect.gather [hbm4b:s5+s6], $0x80, s2, s6, $0xb8;
	[tilespmem:$0x8200] =	vst v63  }
0x31: {  	_ = 	snop  }
0x32: {  	[tilespmem:s8], [sflag:$0x1] =	stream.indirect.gather [hbm4b:s5+s6], $0x80, s6, s6, $0xb8;
	[tilespmem:$0x8200] =	vst v63  }
0x33: {  	_ =	swait.ge [sflag:s9], $0x4000  }
0x34: {  	[sflag:s9] =	ssyncset.done $0x0  }
0x35: {  	[sflag:s9] =	ssyncadd.s32 $0xFFFFC000  }
0x36: {  	[hbm4b:s10+s2] =	stream.linear.scatter [tilespmem:s7], [sflag:$0x2], $0x4000, $0x38;
	[tilespmem:$0x8200] =	vst v63  }
0x37: {  	_ =	swait.ge [sflag:s3], $0x4000  }
0x38: {  	[sflag:s3] =	ssyncset.done $0x0  }
0x39: {  	[sflag:s3] =	ssyncadd.s32 $0xFFFFC000  }
0x3a: {  	[tilespmem:s7], [sflag:$0x1] =	stream.indirect.gather [hbm4b:s5+s6], $0x80, s11, s6, $0xb8;
	[tilespmem:$0x8200] =	vst v63  }
0x3b: {  	_ =	swait.ge [sflag:s9], $0x4000  }
0x3c: {  	[sflag:s9] =	ssyncset.done $0x0  }
0x3d: {  	[sflag:s9] =	ssyncadd.s32 $0xFFFFC000  }
0x3e: {  	[hbm4b:s12+s2] =	stream.linear.scatter [tilespmem:s8], [sflag:$0x2], $0x4000, $0x38;
	[tilespmem:$0x8200] =	vst v63  }
0x3f: {  	_ =	swait.ge [sflag:s3], $0x4000  }
0x40: {  	[sflag:s3] =	ssyncset.done $0x0  }
0x41: {  	[sflag:s3] =	ssyncadd.s32 $0xFFFFC000  }
0x42: {  	[tilespmem:s8], [sflag:$0x1] =	stream.indirect.gather [hbm4b:s5+s6], $0x80, s13, s6, $0xb8;
	[tilespmem:$0x8200] =	vst v63  }
0x43: {  	_ =	swait.ge [sflag:s9], $0x4000  }
0x44: {  	[sflag:s9] =	ssyncset.done $0x0  }
0x45: {  	[sflag:s9] =	ssyncadd.s32 $0xFFFFC000  }
0x46: {  	[hbm4b:s14+s2] =	stream.linear.scatter [tilespmem:s7], [sflag:$0x2], $0x4000, $0x38;
	[tilespmem:$0x8200] =	vst v63  }
0x47: {  	_ =	swait.ge [sflag:s3], $0x4000  }
0x48: {  	[sflag:s3] =	ssyncset.done $0x0  }
0x49: {  	[sflag:s3] =	ssyncadd.s32 $0xFFFFC000  }
0x4a: {  	_ =	swait.ge [sflag:s9], $0x4000  }
.Ltmp1:
0x4b: {  	[sflag:s9] =	ssyncset.done $0x0;
	(pc) =	sbr.rel @p0 .LBB2_1-.Ltmp1, $4  }
0x4c: {  	[sflag:s9] =	ssyncadd.s32 $0xFFFFC000  }
0x4d: {  	[hbm4b:s15+s2] =	stream.linear.scatter [tilespmem:s8], [sflag:$0x2], $0x4000, $0x38;
	[tilespmem:$0x8200] =	vst v63  }
0x4e: {  	_ =	swait.ge [sflag:s3], $0x4000  }
0x4f: {  	[sflag:s3] =	ssyncset.done $0x0  }
.LBB2_2:
0x50: {  	[sflag:s3] =	ssyncadd.s32 $0xFFFFC000  }
0x51: {  	_ =	sfence.sel $0x180000  }
0x52: {  	[bflag:$0x0] =	sbarrier.arrive $0xFFFF  }
0x53: {  	p0 =	sne.s32 s0, $0x0;
	_ =	strace $0x90000047  }
0x54: {  	s0 =	sadd.s32 @!p0 $0x100000, s1;
	[bflag:$0x2] =	sbarrier.arrive $0xFFFF  }
0x55: {  	[sflag:s0] =	ssyncadd.tile.s32 @!p0 $0x1;
	_ =	shalt  }
.Lfunc_end2:
_tile_overlayer_lowered:
.L_overlay_start_2:
0x56: {  	(tag) =	ssettag $0x2  }
0x57: {  	s0 =	rddreg [dreg:$0x0];
	s2 =	stileid.u32  }
0x58: {  	s1 =	rddreg [dreg:$0x1];
	p0 =	sne.s32 s2, $0x0  }
0x59: {  	s3 =	rddreg [dreg:$0x2];
	[bflag:$0x3] =	sbarrier.arrive $0xFFFF;
	s2 =	simm.s32 @!p0 $0x1C02  }
0x5a: {  	[timem:s3], [sflag:s2] =	dma.local @!p0 [hbm:s0], s1  }
0x5b: {  	s0 =	simm.s32 @!p0 $0x2  }
0x5c: {  	_ =	swait.ge @!p0 [sflag:s0], s1  }
0x5d: {  	s1 =	ssub.s32 @!p0 $0x0, s1;
	[sflag:s0] =	ssyncset.done @!p0 $0x0  }
0x5e: {  	[sflag:s0] =	ssyncadd.s32 @!p0 s1  }
0x5f: {  	[bflag:$0x3] =	sbarrier.arrive $0xFFFF  }
0x60: {  	_ =	shalt  }

// kernel: kernel.7.cloned.1.call-start
scs
__scs_entry_jumppad:
0x0: {  	(pc) =	sbr.rel $0x88, $3  }
0x1: {  	(tag) =	ssettag $0x0;
	lr =	simm.s32 $0x1  }
0x2: {  	[smem:$0x3F93] =	sst lr;
	_ =	strace $0xD0000000  }
0x3: {  	_ = 	snop  }
0x4: {  	_ = 	snop  }
0x5: {  	_ = 	snop  }
0x6: {  	_ = 	snop  }
0x7: {  	_ = 	snop  }
__scs_overlays_trampoline_lowered:
0x8: {  	[smem:$0x3FA2] =	sst s0  }
0x9: {  	[smem:$0x3FA3] =	sst s1  }
0xa: {  	[smem:$0x3FA4] =	sst s2  }
0xb: {  	[smem:$0x3FA5] =	sst s3  }
0xc: {  	[smem:$0x3FA6] =	sst s4  }
0xd: {  	[smem:$0x3FA7] =	sst s5  }
0xe: {  	[smem:$0x3FA8] =	sst s6  }
0xf: {  	[smem:$0x3FA9] =	sst s7  }
0x10: {  	[smem:$0x3FAA] =	sst s8  }
0x11: {  	[smem:$0x3FAB] =	sst s9;
	s0 =	simm.s32 @!p0 $0x0  }
0x12: {  	s1 =	sld [smem:$0x3F91];
	s0 =	simm.s32 @p0 $0x1  }
0x13: {  	[smem:$0x3FAC] =	sst s0;
	s0 =	simm.s32 @!p1 $0x0  }
0x14: {  	s2 =	sld [smem:$0x3F90];
	s0 =	simm.s32 @p1 $0x1  }
0x15: {  	[smem:$0x3FAD] =	sst s0;
	s0 =	simm.s32 @!p2 $0x0  }
0x16: {  	s3 =	sld [smem:$0x3FDB];
	s0 =	simm.s32 @p2 $0x1  }
0x17: {  	s4 =	simm.s32 $0x1BF5;
	[smem:$0x3FAF] =	sst s0  }
0x18: {  	s0 =	sld [smem:$0x3F92];
	_ =	swait.ge [sflag:s4], $0x0  }
0x19: {  	s7 =	sld [smem:$0x3F93]  }
0x1a: {  	s8 =	sadd.s32 $0xFFFFE003, lr  }
0x1b: {  	s9 =	sadd.s32 $0xFFFFFEF7, lr;
	s5 =	simm.s32 $0xFFFFFFFF;
	p2 =	slt.u32 s8, $0xFFFFF086  }
0x1c: {  	p1 =	slt.u32 s9, $0xF7A;
	s5 =	simm.s32 @!p2 $0x0  }
0x1d: {  	s5 =	simm.s32 @p1 $0x1;
	p0 =	seq.s32 s7, s2  }
0x1e: {  	s7 =	smul.u32 @!p0 $0xF7A, s2;
	p2 =	seq.s32 @!p0 s5, $0x0  }
0x1f: {  	s9 =	smul.u32 $0xF7A, s1;
	s8 =	simm.s32 @!p0 $0x1BF5;
	p2 =	por !p2, p0  }
0x20: {  	[sflag:s8] =	ssyncset.s32 @!p0 $0xFFFFF086;
	s6 =	sadd.s32 @!p0 s3, s7;
	s7 =	simm.s32 @!p0 $0x108  }
0x21: {  	s3 =	sadd.s32 s3, s9;
	s6 =	sadd.s32 @!p0 $0x88, s6;
	s7 =	simm.s32 @p2 $0x1082  }
0x22: {  	[simem:s7], [sflag:s8] =	dma.local @!p0 [hbm:s6], $0xF7A  }
0x23: {  	s9 =	sor.u32 $0xD0000000, s2;
	s6 =	simm.s32 $0x108;
	_ =	swait.ge @!p0 [sflag:s8], $0x0  }
0x24: {  	s3 =	sadd.s32 $0x88, s3;
	s6 =	simm.s32 @!p1 $0x1082;
	[sflag:s4] =	ssyncset.s32 $0xFFFFF086  }
0x25: {  	[simem:s6], [sflag:s4] =	dma.local [hbm:s3], $0xF7A  }
0x26: {  	[smem:$0x3F93] =	sst s1;
	(tag) =	ssettag s2;
	_ =	strace s9  }
0x27: {  	s1 =	sld [smem:$0x3FA3]  }
0x28: {  	s2 =	sld [smem:$0x3FA4]  }
0x29: {  	s4 =	sld [smem:$0x3FA6]  }
0x2a: {  	p0 =	seq.s32 s5, $0x0;
	s5 =	sld [smem:$0x3FA7]  }
0x2b: {  	s6 =	sld [smem:$0x3FA8]  }
0x2c: {  	s7 =	sld [smem:$0x3FA9]  }
0x2d: {  	s3 =	simm.s32 $0x108;
	s8 =	sld [smem:$0x3FAA]  }
0x2e: {  	s3 =	simm.s32 @!p0 $0x1082;
	s9 =	sld [smem:$0x3FAB]  }
0x2f: {  	lr =	sadd.s32 s0, s3;
	s0 =	sld [smem:$0x3FA2]  }
0x30: {  	s3 =	sld [smem:$0x3FA5]  }
0x31: {  	[smem:$0x3FAE] =	sst s10  }
0x32: {  	s10 =	sld [smem:$0x3FAC];
	_ =	sdelay $0x3  }
0x33: {  	p0 =	seq.s32 s10, $0x1;
	s10 =	sld [smem:$0x3FAE];
	_ =	sdelay $0x3  }
0x34: {  	[smem:$0x3FAE] =	sst s10  }
0x35: {  	s10 =	sld [smem:$0x3FAD];
	_ =	sdelay $0x3  }
0x36: {  	p1 =	seq.s32 s10, $0x1;
	s10 =	sld [smem:$0x3FAE];
	_ =	sdelay $0x3  }
0x37: {  	[smem:$0x3FAE] =	sst s10  }
0x38: {  	s10 =	sld [smem:$0x3FAF]  }
0x39: {  	_ = 	snop;
	(pc) =	sbr.ind lr, $3  }
0x3a: {  	_ = 	snop  }
0x3b: {  	_ = 	snop  }
0x3c: {  	p2 =	seq.s32 s10, $0x1;
	s10 =	sld [smem:$0x3FAE]  }
0x3d: {  	_ =	shalt  }
0x3e: {  	_ =	shalt  }
0x3f: {  	_ =	shalt  }
0x40: {  	_ =	shalt  }
0x41: {  	_ =	shalt  }
0x42: {  	_ =	shalt  }
0x43: {  	_ =	shalt  }
0x44: {  	_ =	shalt  }
0x45: {  	_ =	shalt  }
0x46: {  	_ =	shalt  }
0x47: {  	_ =	shalt  }
0x48: {  	_ =	shalt  }
0x49: {  	_ =	shalt  }
0x4a: {  	_ =	shalt  }
0x4b: {  	_ =	shalt  }
0x4c: {  	_ =	shalt  }
0x4d: {  	_ =	shalt  }
0x4e: {  	_ =	shalt  }
0x4f: {  	_ =	shalt  }
0x50: {  	_ =	shalt  }
0x51: {  	_ =	shalt  }
0x52: {  	_ =	shalt  }
0x53: {  	_ =	shalt  }
0x54: {  	_ =	shalt  }
0x55: {  	_ =	shalt  }
0x56: {  	_ =	shalt  }
0x57: {  	_ =	shalt  }
0x58: {  	_ =	shalt  }
0x59: {  	_ =	shalt  }
0x5a: {  	_ =	shalt  }
0x5b: {  	_ =	shalt  }
0x5c: {  	_ =	shalt  }
0x5d: {  	_ =	shalt  }
0x5e: {  	_ =	shalt  }
0x5f: {  	_ =	shalt  }
0x60: {  	_ =	shalt  }
0x61: {  	_ =	shalt  }
0x62: {  	_ =	shalt  }
0x63: {  	_ =	shalt  }
0x64: {  	_ =	shalt  }
0x65: {  	_ =	shalt  }
0x66: {  	_ =	shalt  }
0x67: {  	_ =	shalt  }
0x68: {  	_ =	shalt  }
0x69: {  	_ =	shalt  }
0x6a: {  	_ =	shalt  }
0x6b: {  	_ =	shalt  }
0x6c: {  	_ =	shalt  }
0x6d: {  	_ =	shalt  }
0x6e: {  	_ =	shalt  }
0x6f: {  	_ =	shalt  }
0x70: {  	_ =	shalt  }
0x71: {  	_ =	shalt  }
0x72: {  	_ =	shalt  }
0x73: {  	_ =	shalt  }
0x74: {  	_ =	shalt  }
0x75: {  	_ =	shalt  }
0x76: {  	_ =	shalt  }
0x77: {  	_ =	shalt  }
0x78: {  	_ =	shalt  }
0x79: {  	_ =	shalt  }
0x7a: {  	_ =	shalt  }
0x7b: {  	_ =	shalt  }
0x7c: {  	_ =	shalt  }
0x7d: {  	_ =	shalt  }
0x7e: {  	_ =	shalt  }
0x7f: {  	_ =	shalt  }
0x80: {  	_ =	shalt  }
0x81: {  	_ =	shalt  }
0x82: {  	_ =	shalt  }
0x83: {  	_ =	shalt  }
0x84: {  	_ =	shalt  }
0x85: {  	_ =	shalt  }
0x86: {  	_ =	shalt  }
0x87: {  	_ =	shalt  }
.Lfunc_end0:
.L_simem_size_0:
called_computation_lowered:
.L_overlay_start_0:
0x88: {  	s2 =	sld [smem:$0x3FD9]  }
0x89: {  	s3 =	sld [smem:$0x3FFE];
	_ =	sdelay $0x1  }
0x8a: {  	s1 =	srdreg.scid  }
0x8b: {  	s0 =	sand.u32 $0x1, s1  }
0x8c: {  	s17 =	sshll.u32 s0, $0xA;
	s2 =	sadd.s32 s3, s2  }
0x8d: {  	s2 =	sadd.s32 s2, s17  }
0x8e: {  	[smem:$0x3FBA] =	sst s2  }
0x8f: {  	_ = 	snop  }
0x90: {  	(tm) =	ssettm $0x1  }
0x91: {  	s18 =	sld [smem:$0x3FFB];
	_ =	sdelay $0x3  }
0x92: {  	_ =	strace s18  }
0x93: {  	s2 =	sld [smem:$0x3FFC];
	_ =	sdelay $0x3  }
0x94: {  	_ =	strace s2  }
0x95: {  	s2 =	sld [smem:$0x3FFD];
	_ =	sdelay $0x3  }
0x96: {  	_ =	strace s2  }
0x97: {  	_ =	strace $0x8FFFFFFF  }
0x98: {  	s19 =	sld [smem:$0x3FDB];
	_ =	sdelay $0x1  }
0x99: {  	s20 =	simm.s32 $_scs_section_size  }
0x9a: {  	s4 =	simm.s32 $_size__tile_overlayer_lowered;
	s5 =	simm.s32 $_tile_overlayer_lowered  }
0x9b: {  	s6 =	simm.s32 $0x1BFF;
	s21 =	sshll.u32 s5, $0x1;
	s3 =	sadd.s32 s20, s19  }
0x9c: {  	s22 =	simm.s32 $0x0;
	s4 =	sshll.u32 s4, $0x1;
	s5 =	sadd.s32 s21, s3  }
0x9d: {  	[timem:s22], [sflag:s6] =	dma.local [hbm:s5], s4  }
0x9e: {  	_ =	swait.ge [sflag:s6], s4  }
0x9f: {  	s4 =	ssub.s32 $0x0, s4;
	[sflag:s6] =	ssyncset.done $0x0  }
0xa0: {  	[sflag:s6] =	ssyncadd.s32 s4;
	_ =	sdelay $0x1  }
0xa1: {  	s23 =	simm.s32 $0x1B8B  }
0xa2: {  	_ =	swait.ge [sflag:s23], $0x1  }
0xa3: {  	[sflag:s23] =	ssyncset.done $0x0  }
0xa4: {  	[sflag:s23] =	ssyncadd.s32 $0xFFFFFFFF  }
0xa5: {  	s4 =	sld [smem:$0x0]  }
0xa6: {  	s5 =	sand.u32 $0xFFFFFFFE, s1  }
0xa7: {  	p0 =	sne.s32 s1, s5  }
0xa8: {  	s5 =	sshll.u32 @p0 s5, $0xE  }
0xa9: {  	s5 =	sadd.s32 @p0 $0x11B8D, s5;
	s6 =	sshll.u32 @p0 s4, $0x11  }
0xaa: {  	s5 =	sor.u32 @p0 s6, s5  }
0xab: {  	[sflag:s5] =	ssyncadd.remote.s32 @p0 $0x1;
	_ =	sdelay $0x1  }
0xac: {  	s5 =	simm.s32 @p0 $0x1B8D  }
0xad: {  	_ =	swait.eq @p0 [sflag:s5], $0x1  }
0xae: {  	[sflag:s5] =	ssyncadd.s32 @p0 $0xFFFFFFFF  }
0xaf: {  	s6 =	sshll.u32 @!p0 s1, $0xE  }
0xb0: {  	s6 =	sor.u32 @!p0 $0x4000, s6;
	s5 =	simm.s32 @!p0 $0x1B8D  }
0xb1: {  	s4 =	sshll.u32 @!p0 s4, $0x11;
	s6 =	sadd.s32 @!p0 $0x11B8D, s6;
	_ =	swait.eq @!p0 [sflag:s5], $0x1  }
0xb2: {  	s4 =	sor.u32 @!p0 s4, s6;
	[sflag:s5] =	ssyncadd.s32 @!p0 $0xFFFFFFFF  }
0xb3: {  	s25 =	simm.s32 $0x1B8E;
	s24 =	sld [smem:$0x3FFE];
	[sflag:s4] =	ssyncadd.remote.s32 @!p0 $0x1  }
0xb4: {  	s26 =	simm.s32 $execute0_lowered;
	[smem:$0x3FD2] =	sst s25  }
0xb5: {  	s5 =	sshll.u32 s26, $0x1;
	_ =	strace $0x80000049;
	[dreg:$0x1] =	wrdreg $0xFFFFFFFF  }
0xb6: {  	s28 =	simm.s32 $_size_execute0_lowered;
	s3 =	sadd.s32 s3, s5;
	[dreg:$0x0] =	wrdreg $0x0  }
0xb7: {  	s5 =	sshll.u32 s28, $0x1;
	[dreg:$0x2] =	wrdreg s3  }
0xb8: {  	[dreg:$0x3] =	wrdreg s5  }
0xb9: {  	[dreg:$0x4] =	wrdreg $0xC0  }
0xba: {  	_ =	task [dreg:s22], $0x5FFFF  }
0xbb: {  	[dreg:$0x1] =	wrdreg $0xFFFFFFFF  }
0xbc: {  	[dreg:$0x0] =	wrdreg $0x60  }
0xbd: {  	[dreg:$0x2] =	wrdreg s24  }
0xbe: {  	[dreg:$0x3] =	wrdreg $0x9  }
0xbf: {  	_ =	task.clear_ibuf [dreg:s22], $0x4FFFF;
	_ =	strace $0x90000049  }
0xc0: {  	s29 =	simm.s32 $0x9;
	_ =	strace $0x8000004B  }
0xc1: {  	_ =	swait.ge [sflag:s29], $0x1  }
0xc2: {  	[sflag:s29] =	ssyncadd.s32 $0xFFFFFFFF  }
0xc3: {  	_ =	strace $0x9000004B  }
0xc4: {  	_ =	sfence  }
0xc5: {  	s30 =	sld [smem:$0x0];
	_ =	sdelay $0x2  }
0xc6: {  	s31 =	sshll.u32 s1, $0xD;
	s1 =	sshrl.u32 s1, $0x2  }
0xc7: {  	s4 =	sand.u32 $0x4000, s31;
	s1 =	sadd.s32 s1, s30  }
0xc8: {  	s0 =	sor.u32 s4, s0;
	s1 =	sshll.u32 s1, $0x11  }
0xc9: {  	s0 =	sor.u32 s1, s0  }
0xca: {  	s0 =	sadd.s32 $0x8F2B, s0  }
0xcb: {  	[sflag:s0] =	ssyncadd.remote.s32 $0x1  }
0xcc: {  	_ =	sfence.sel $0xFFFF  }
0xcd: {  	[dreg:$0x0] =	wrdreg $0xFFFFFFFF;
	(pc) =	sbr.abs _section_cstart, $3  }
0xce: {  	[dreg:$0x1] =	wrdreg $0xFFFFFFFF  }
0xcf: {  	_ =	task.clear_ibuf [dreg:s22], $0x2FFFF;
	_ =	strace $0x9FFFFFFF  }
0xd0: {  	(tm) =	ssettm $0x7FFFFFFF  }
0xd1: {  	_ =	shalt  }
tec
execute0_lowered:
.L_overlay_start_1:
0x0: {  	(tag) =	ssettag $0x1  }
0x1: {  	s1 =	srdreg.scid;
	s0 =	stileid.u32  }
0x2: {  	s15 =	sand.u32 $0x1, s1;
	s30 =	sshll.u32 s0, $0x1  }
0x3: {  	s10 =	rddreg [dreg:$0x0];
	s11 =	sor.u32 s15, s30  }
0x4: {  	s2 =	simm.s32 $0x0;
	s1 =	rddreg [dreg:$0x1];
	s3 =	sshll.u32 s11, $0x6  }
0x5: {  	[smem:$0x7FF] =	sst s2;
	s3 =	sadd.s32 s3, s10  }
0x6: {  	_ =	strace $0x8000004A;
	s4 =	sadd.s32 $0x901E00, s3;
	s3 =	simm.s32 $0x2  }
0x7: {  	[tilespmem:s2], [sflag:$0x2] =	stream.linear.gather [hbm4b:s4+s2], $0x200, $0x38;
	[tilespmem:$0x8200] =	vst v63  }
0x8: {  	_ =	swait.ge [sflag:s3], $0x200  }
0x9: {  	s6 =	simm.s32 $0x80;
	[sflag:s3] =	ssyncset.done $0x0  }
0xa: {  	s7 =	simm.s32 $0x200;
	s5 =	sadd.s32 $0x801E00, s10;
	[sflag:s3] =	ssyncadd.s32 $0xFFFFFE00  }
0xb: {  	[tilespmem:s7], [sflag:$0x1] =	stream.indirect.gather [hbm4b:s5+s6], $0x80, s2, s6, $0xb8;
	[tilespmem:$0x8200] =	vst v63  }
0xc: {  	s8 =	simm.s32 $0x4200;
	s9 =	simm.s32 $0x1  }
0xd: {  	[tilespmem:s8], [sflag:$0x1] =	stream.indirect.gather [hbm4b:s5+s6], $0x80, s6, s6, $0xb8;
	[tilespmem:$0x8200] =	vst v63  }
0xe: {  	s11 =	sshll.u32 s11, $0xD;
	_ =	swait.ge [sflag:s9], $0x4000  }
0xf: {  	s16 =	sadd.s32 s11, s10;
	[sflag:s9] =	ssyncset.done $0x0  }
0x10: {  	s10 =	sadd.s32 $0x902600, s16;
	[sflag:s9] =	ssyncadd.s32 $0xFFFFC000  }
0x11: {  	[hbm4b:s10+s2] =	stream.linear.scatter [tilespmem:s7], [sflag:$0x2], $0x4000, $0x38;
	[tilespmem:$0x8200] =	vst v63  }
0x12: {  	_ =	swait.ge [sflag:s3], $0x4000  }
0x13: {  	[sflag:s3] =	ssyncset.done $0x0  }
0x14: {  	s11 =	simm.s32 $0x100;
	[sflag:s3] =	ssyncadd.s32 $0xFFFFC000  }
0x15: {  	[tilespmem:s7], [sflag:$0x1] =	stream.indirect.gather [hbm4b:s5+s6], $0x80, s11, s6, $0xb8;
	[tilespmem:$0x8200] =	vst v63  }
0x16: {  	_ =	swait.ge [sflag:s9], $0x4000  }
0x17: {  	[sflag:s9] =	ssyncset.done $0x0  }
0x18: {  	s12 =	sadd.s32 $0x902E00, s16;
	[sflag:s9] =	ssyncadd.s32 $0xFFFFC000  }
0x19: {  	[hbm4b:s12+s2] =	stream.linear.scatter [tilespmem:s8], [sflag:$0x2], $0x4000, $0x38;
	[tilespmem:$0x8200] =	vst v63  }
0x1a: {  	_ =	swait.ge [sflag:s3], $0x4000  }
0x1b: {  	[sflag:s3] =	ssyncset.done $0x0  }
0x1c: {  	s13 =	simm.s32 $0x180;
	[sflag:s3] =	ssyncadd.s32 $0xFFFFC000  }
0x1d: {  	[tilespmem:s8], [sflag:$0x1] =	stream.indirect.gather [hbm4b:s5+s6], $0x80, s13, s6, $0xb8;
	[tilespmem:$0x8200] =	vst v63  }
0x1e: {  	_ =	swait.ge [sflag:s9], $0x4000  }
0x1f: {  	[sflag:s9] =	ssyncset.done $0x0  }
0x20: {  	s15 =	ssub.s32 $0x2, s15;
	s14 =	sadd.s32 $0x903600, s16;
	[sflag:s9] =	ssyncadd.s32 $0xFFFFC000  }
0x21: {  	[hbm4b:s14+s2] =	stream.linear.scatter [tilespmem:s7], [sflag:$0x2], $0x4000, $0x38;
	[tilespmem:$0x8200] =	vst v63  }
0x22: {  	s17 =	sshrl.u32 s15, $0x1;
	_ =	swait.ge [sflag:s3], $0x4000  }
0x23: {  	s17 =	ssub.s32 s15, s17;
	[sflag:s3] =	ssyncset.done $0x0  }
0x24: {  	s31 =	smax.u32 s17, $0x1;
	[sflag:s3] =	ssyncadd.s32 $0xFFFFC000  }
0x25: {  	p0 =	sne.s32 s31, $0x1;
	_ =	swait.ge [sflag:s9], $0x4000  }
.Ltmp0:
0x26: {  	[sflag:s9] =	ssyncset.done $0x0;
	(pc) =	sbr.rel @!p0 .LBB2_2-.Ltmp0, $4  }
0x27: {  	s15 =	sadd.s32 $0x903E00, s16;
	[sflag:s9] =	ssyncadd.s32 $0xFFFFC000  }
0x28: {  	[hbm4b:s15+s2] =	stream.linear.scatter [tilespmem:s8], [sflag:$0x2], $0x4000, $0x38;
	[tilespmem:$0x8200] =	vst v63  }
0x29: {  	_ =	swait.ge [sflag:s3], $0x4000  }
0x2a: {  	s16 =	sadd.s32 $0xFFFFFFFF, s31;
	[sflag:s3] =	ssyncset.done $0x0  }
.LBB2_1:
0x2b: {  	p0 =	sne.s32 s16, $0x1;
	s16 =	sadd.s32 $0xFFFFFFFF, s16;
	[sflag:s3] =	ssyncadd.s32 $0xFFFFC000  }
0x2c: {  	[tilespmem:s2], [sflag:$0x2] =	stream.linear.gather [hbm4b:s4+s2], $0x200, $0x38;
	[tilespmem:$0x8200] =	vst v63  }
0x2d: {  	_ =	swait.ge [sflag:s3], $0x200  }
0x2e: {  	[sflag:s3] =	ssyncset.done $0x0  }
0x2f: {  	[sflag:s3] =	ssyncadd.s32 $0xFFFFFE00  }
0x30: {  	[tilespmem:s7], [sflag:$0x1] =	stream.indirect.gather [hbm4b:s5+s6], $0x80, s2, s6, $0xb8;
	[tilespmem:$0x8200] =	vst v63  }
0x31: {  	_ = 	snop  }
0x32: {  	[tilespmem:s8], [sflag:$0x1] =	stream.indirect.gather [hbm4b:s5+s6], $0x80, s6, s6, $0xb8;
	[tilespmem:$0x8200] =	vst v63  }
0x33: {  	_ =	swait.ge [sflag:s9], $0x4000  }
0x34: {  	[sflag:s9] =	ssyncset.done $0x0  }
0x35: {  	[sflag:s9] =	ssyncadd.s32 $0xFFFFC000  }
0x36: {  	[hbm4b:s10+s2] =	stream.linear.scatter [tilespmem:s7], [sflag:$0x2], $0x4000, $0x38;
	[tilespmem:$0x8200] =	vst v63  }
0x37: {  	_ =	swait.ge [sflag:s3], $0x4000  }
0x38: {  	[sflag:s3] =	ssyncset.done $0x0  }
0x39: {  	[sflag:s3] =	ssyncadd.s32 $0xFFFFC000  }
0x3a: {  	[tilespmem:s7], [sflag:$0x1] =	stream.indirect.gather [hbm4b:s5+s6], $0x80, s11, s6, $0xb8;
	[tilespmem:$0x8200] =	vst v63  }
0x3b: {  	_ =	swait.ge [sflag:s9], $0x4000  }
0x3c: {  	[sflag:s9] =	ssyncset.done $0x0  }
0x3d: {  	[sflag:s9] =	ssyncadd.s32 $0xFFFFC000  }
0x3e: {  	[hbm4b:s12+s2] =	stream.linear.scatter [tilespmem:s8], [sflag:$0x2], $0x4000, $0x38;
	[tilespmem:$0x8200] =	vst v63  }
0x3f: {  	_ =	swait.ge [sflag:s3], $0x4000  }
0x40: {  	[sflag:s3] =	ssyncset.done $0x0  }
0x41: {  	[sflag:s3] =	ssyncadd.s32 $0xFFFFC000  }
0x42: {  	[tilespmem:s8], [sflag:$0x1] =	stream.indirect.gather [hbm4b:s5+s6], $0x80, s13, s6, $0xb8;
	[tilespmem:$0x8200] =	vst v63  }
0x43: {  	_ =	swait.ge [sflag:s9], $0x4000  }
0x44: {  	[sflag:s9] =	ssyncset.done $0x0  }
0x45: {  	[sflag:s9] =	ssyncadd.s32 $0xFFFFC000  }
0x46: {  	[hbm4b:s14+s2] =	stream.linear.scatter [tilespmem:s7], [sflag:$0x2], $0x4000, $0x38;
	[tilespmem:$0x8200] =	vst v63  }
0x47: {  	_ =	swait.ge [sflag:s3], $0x4000  }
0x48: {  	[sflag:s3] =	ssyncset.done $0x0  }
0x49: {  	[sflag:s3] =	ssyncadd.s32 $0xFFFFC000  }
0x4a: {  	_ =	swait.ge [sflag:s9], $0x4000  }
.Ltmp1:
0x4b: {  	[sflag:s9] =	ssyncset.done $0x0;
	(pc) =	sbr.rel @p0 .LBB2_1-.Ltmp1, $4  }
0x4c: {  	[sflag:s9] =	ssyncadd.s32 $0xFFFFC000  }
0x4d: {  	[hbm4b:s15+s2] =	stream.linear.scatter [tilespmem:s8], [sflag:$0x2], $0x4000, $0x38;
	[tilespmem:$0x8200] =	vst v63  }
0x4e: {  	_ =	swait.ge [sflag:s3], $0x4000  }
0x4f: {  	[sflag:s3] =	ssyncset.done $0x0  }
.LBB2_2:
0x50: {  	[sflag:s3] =	ssyncadd.s32 $0xFFFFC000  }
0x51: {  	_ =	sfence.sel $0x180000  }
0x52: {  	[bflag:$0x0] =	sbarrier.arrive $0xFFFF  }
0x53: {  	p0 =	sne.s32 s0, $0x0;
	_ =	strace $0x9000004A  }
0x54: {  	s0 =	sadd.s32 @!p0 $0x100000, s1;
	[bflag:$0x2] =	sbarrier.arrive $0xFFFF  }
0x55: {  	[sflag:s0] =	ssyncadd.tile.s32 @!p0 $0x1;
	_ =	shalt  }
.Lfunc_end2:
_tile_overlayer_lowered:
.L_overlay_start_2:
0x56: {  	(tag) =	ssettag $0x2  }
0x57: {  	s0 =	rddreg [dreg:$0x0];
	s2 =	stileid.u32  }
0x58: {  	s1 =	rddreg [dreg:$0x1];
	p0 =	sne.s32 s2, $0x0  }
0x59: {  	s3 =	rddreg [dreg:$0x2];
	[bflag:$0x3] =	sbarrier.arrive $0xFFFF;
	s2 =	simm.s32 @!p0 $0x1C02  }
0x5a: {  	[timem:s3], [sflag:s2] =	dma.local @!p0 [hbm:s0], s1  }
0x5b: {  	s0 =	simm.s32 @!p0 $0x2  }
0x5c: {  	_ =	swait.ge @!p0 [sflag:s0], s1  }
0x5d: {  	s1 =	ssub.s32 @!p0 $0x0, s1;
	[sflag:s0] =	ssyncset.done @!p0 $0x0  }
0x5e: {  	[sflag:s0] =	ssyncadd.s32 @!p0 s1  }
0x5f: {  	[bflag:$0x3] =	sbarrier.arrive $0xFFFF  }
0x60: {  	_ =	shalt  }

</sc_bundles>
